<compile_context>
chip_gen: v7x
topology: tpu7x:2x2x1
jax: 0.10.2.dev20260603
libtpu: 0.0.44.dev20260713+nightly
codegen_flags: <defaults>
</compile_context>

<pallas_src>
import functools

import jax
import jax.numpy as jnp
from jax import lax
from jax.experimental import pallas as pl
from jax.experimental.pallas import tpu as pltpu
from jax.experimental.pallas import tpu_sc as plsc

VOCAB = 256
D = 512
B = 4 * 8192

_info = plsc.get_sparse_core_info()
NC = _info.num_cores
NS = _info.num_subcores
NW = NC * NS
B_PER_W = B // NW
CH = 64
NCH = B_PER_W // CH


def _make_kernel():
  mesh = plsc.VectorSubcoreMesh(core_axis_name="c", subcore_axis_name="s")

  @functools.partial(
      pl.kernel,
      mesh=mesh,
      out_type=jax.ShapeDtypeStruct((B, D), jnp.float32),
      scratch_types=[
          pltpu.VMEM((B_PER_W,), jnp.int32),
          pltpu.VMEM((CH, D), jnp.float32),
          pltpu.VMEM((CH, D), jnp.float32),
          pltpu.VMEM((CH, D), jnp.float32),
          pltpu.SemaphoreType.DMA,
          pltpu.SemaphoreType.DMA,
          pltpu.SemaphoreType.DMA,
          pltpu.SemaphoreType.DMA,
          pltpu.SemaphoreType.DMA,
          pltpu.SemaphoreType.DMA,
      ],
  )
  def body(x_hbm, table_hbm, out_hbm, idx_v, buf0, buf1, buf2,
           gs0, gs1, gs2, ss0, ss1, ss2):
    wid = lax.axis_index("s") * NC + lax.axis_index("c")
    base = wid * B_PER_W
    pltpu.sync_copy(x_hbm.at[pl.ds(base, B_PER_W)], idx_v)

    bufs = (buf0, buf1, buf2)
    gsems = (gs0, gs1, gs2)
    ssems = (ss0, ss1, ss2)
    gh = [None, None, None]
    sh = [None, None, None]

    def gather(g):
      b = g % 3
      gh[b] = pltpu.async_copy(
          table_hbm.at[idx_v.at[pl.ds(g * CH, CH)]], bufs[b], gsems[b])

    gather(0)
    gather(1)
    for g in range(NCH):
      b = g % 3
      gh[b].wait()
      if g + 2 < NCH:
        if sh[(g + 2) % 3] is not None:
          sh[(g + 2) % 3].wait()
        gather(g + 2)
      sh[b] = pltpu.async_copy(
          bufs[b], out_hbm.at[pl.ds(base + g * CH, CH)], ssems[b])
    sh[(NCH - 2) % 3].wait()
    sh[(NCH - 1) % 3].wait()

  return body


_kernel = _make_kernel()


def kernel(x, embedding):
  flat = jnp.reshape(x, (B,)).astype(jnp.int32)
  out = _kernel(flat, embedding)
  return jnp.reshape(out, (x.shape[0], x.shape[1], D))

# --- scband reference (transcript-rebuilt; emitter-appended) ---
"""Pipeline reference for scband-tiny-llm-12060268167625 (READ-ONLY COPY).

The authoritative reference and input builder live on the scoring server;
editing this copy changes nothing except your own understanding.
"""

import jax, jax.numpy as jnp
import numpy as np

VOCAB_DIM = 256
EMBED_DIM = 512

def setup_inputs(seed: int = 0) -> dict:
    key = jax.random.key(seed)
    k_x, k_emb = jax.random.split(key)
    x = jax.random.randint(k_x, (4, 8192), 0, VOCAB_DIM, dtype=jnp.int64 if jax.config.jax_enable_x64 else jnp.int32)
    embedding = jax.random.normal(k_emb, (VOCAB_DIM, EMBED_DIM), dtype=jnp.float32)
    return {"x": x, "embedding": embedding}

def reference(x, embedding):
    # Faithful to TinyLLM.__call__: out = embedding[x]
    out = jnp.take(embedding, x, axis=0)
    return out

if __name__ == "__main__":
    import jax
    _d = setup_inputs()
    print(jax.jit(kernel)(*tuple(_d.values())))

</pallas_src>

<mosaic_0001>
#map = affine_map<(d0, d1) -> (0)>
#map1 = affine_map<(d0, d1) -> (0, 0)>
module attributes {stable_mosaic.version = 14 : i64} {
  func.func @body(%arg0: i32, %arg1: i32, %arg2: memref<32768xi32, #tpu.memory_space<hbm>>, %arg3: memref<256x512xf32, #tpu.memory_space<hbm>>, %arg4: memref<32768x512xf32, #tpu.memory_space<hbm>>, %arg5: memref<1024xi32, #tpu.memory_space<vmem>>, %arg6: memref<64x512xf32, #tpu.memory_space<vmem>>, %arg7: memref<64x512xf32, #tpu.memory_space<vmem>>, %arg8: memref<64x512xf32, #tpu.memory_space<vmem>>, %arg9: memref<!tpu.dma_semaphore, #tpu.memory_space<semaphore_mem>>, %arg10: memref<!tpu.dma_semaphore, #tpu.memory_space<semaphore_mem>>, %arg11: memref<!tpu.dma_semaphore, #tpu.memory_space<semaphore_mem>>, %arg12: memref<!tpu.dma_semaphore, #tpu.memory_space<semaphore_mem>>, %arg13: memref<!tpu.dma_semaphore, #tpu.memory_space<semaphore_mem>>, %arg14: memref<!tpu.dma_semaphore, #tpu.memory_space<semaphore_mem>>) attributes {dimension_semantics = [#tpu.dimension_semantics<core_parallel>, #tpu.dimension_semantics<subcore_parallel>], iteration_bounds = array<i64: 2, 16>, scalar_prefetch = 0 : i64, scratch_operands = 10 : i64, tpu.core_type = #tpu.core_type<sc_vector_subcore>, window_params = [{transform_indices = #map}, {transform_indices = #map1}, {transform_indices = #map1}]} {
    %mul3A = arith.constant 2 : i32
    %mul3A_0 = arith.muli %arg1, %mul3A : i32
    %add3A = arith.addi %mul3A_0, %arg0 : i32
    %mul3A_1 = arith.constant 1024 : i32
    %mul3A_2 = arith.muli %add3A, %mul3A_1 : i32
    "tpu.region"() ({
      %run_scoped3A = tpu.sem_alloc : memref<!tpu.dma_semaphore, #tpu.memory_space<semaphore_mem>>
      %dma_start3A_317 = tpu.memref_slice %arg2[%mul3A_2] : memref<32768xi32, #tpu.memory_space<hbm>> -> memref<1024xi32, #tpu.memory_space<hbm>>
      %dma_start3A_318 = tpu.memref_slice %arg2[%mul3A_2] : memref<32768xi32, #tpu.memory_space<hbm>> -> memref<1024xi32, #tpu.memory_space<hbm>>
      tpu.enqueue_dma source(%dma_start3A_318 : memref<1024xi32, #tpu.memory_space<hbm>>) target(%arg5 : memref<1024xi32, #tpu.memory_space<vmem>>) target_semaphore(%run_scoped3A : memref<!tpu.dma_semaphore, #tpu.memory_space<semaphore_mem>>)
      %dma_wait3A_319 = tpu.memref_slice %arg2[%mul3A_2] : memref<32768xi32, #tpu.memory_space<hbm>> -> memref<1024xi32, #tpu.memory_space<hbm>>
      %dma_wait3A_320 = tpu.memref_slice %arg2[%mul3A_2] : memref<32768xi32, #tpu.memory_space<hbm>> -> memref<1024xi32, #tpu.memory_space<hbm>>
      tpu.wait_dma2 semaphore(%run_scoped3A : memref<!tpu.dma_semaphore, #tpu.memory_space<semaphore_mem>>) src(%dma_wait3A_320 : memref<1024xi32, #tpu.memory_space<hbm>>) dst(%arg5 : memref<1024xi32, #tpu.memory_space<vmem>>)
      tpu.yield
    }) : () -> ()
    %dma_start3A = arith.constant 0 : i32
    %dma_start3A_3 = tpu.memref_slice %arg5[%dma_start3A] : memref<1024xi32, #tpu.memory_space<vmem>> -> memref<64xi32, #tpu.memory_space<vmem>>
    %dma_start3A_4 = arith.constant 0 : i32
    %dma_start3A_5 = arith.constant 0 : i32
    %dma_start3A_6 = tpu.memref_slice %arg3[%dma_start3A_4, %dma_start3A_5] : memref<256x512xf32, #tpu.memory_space<hbm>> -> memref<256x512xf32, #tpu.memory_space<hbm>>
    tpu.enqueue_indirect_dma source(%dma_start3A_6 : memref<256x512xf32, #tpu.memory_space<hbm>>) target(%arg6 : memref<64x512xf32, #tpu.memory_space<vmem>>) offsets(%dma_start3A_3 : memref<64xi32, #tpu.memory_space<vmem>>) semaphore(%arg9 : memref<!tpu.dma_semaphore, #tpu.memory_space<semaphore_mem>>)
    %dma_start3A_7 = arith.constant 64 : i32
    %dma_start3A_8 = tpu.memref_slice %arg5[%dma_start3A_7] : memref<1024xi32, #tpu.memory_space<vmem>> -> memref<64xi32, #tpu.memory_space<vmem>>
    %dma_start3A_9 = arith.constant 0 : i32
    %dma_start3A_10 = arith.constant 0 : i32
    %dma_start3A_11 = tpu.memref_slice %arg3[%dma_start3A_9, %dma_start3A_10] : memref<256x512xf32, #tpu.memory_space<hbm>> -> memref<256x512xf32, #tpu.memory_space<hbm>>
    tpu.enqueue_indirect_dma source(%dma_start3A_11 : memref<256x512xf32, #tpu.memory_space<hbm>>) target(%arg7 : memref<64x512xf32, #tpu.memory_space<vmem>>) offsets(%dma_start3A_8 : memref<64xi32, #tpu.memory_space<vmem>>) semaphore(%arg10 : memref<!tpu.dma_semaphore, #tpu.memory_space<semaphore_mem>>)
    %dma_wait3A = arith.constant 0 : i32
    %dma_wait3A_12 = tpu.memref_slice %arg5[%dma_wait3A] : memref<1024xi32, #tpu.memory_space<vmem>> -> memref<64xi32, #tpu.memory_space<vmem>>
    %dma_wait3A_13 = arith.constant 0 : i32
    %dma_wait3A_14 = arith.constant 0 : i32
    %dma_wait3A_15 = tpu.memref_slice %arg3[%dma_wait3A_13, %dma_wait3A_14] : memref<256x512xf32, #tpu.memory_space<hbm>> -> memref<256x512xf32, #tpu.memory_space<hbm>>
    tpu.wait_indirect_dma semaphore(%arg9 : memref<!tpu.dma_semaphore, #tpu.memory_space<semaphore_mem>>) src(%dma_wait3A_15 : memref<256x512xf32, #tpu.memory_space<hbm>>) dst(%arg6 : memref<64x512xf32, #tpu.memory_space<vmem>>)
    %dma_start3A_16 = arith.constant 128 : i32
    %dma_start3A_17 = tpu.memref_slice %arg5[%dma_start3A_16] : memref<1024xi32, #tpu.memory_space<vmem>> -> memref<64xi32, #tpu.memory_space<vmem>>
    %dma_start3A_18 = arith.constant 0 : i32
    %dma_start3A_19 = arith.constant 0 : i32
    %dma_start3A_20 = tpu.memref_slice %arg3[%dma_start3A_18, %dma_start3A_19] : memref<256x512xf32, #tpu.memory_space<hbm>> -> memref<256x512xf32, #tpu.memory_space<hbm>>
    tpu.enqueue_indirect_dma source(%dma_start3A_20 : memref<256x512xf32, #tpu.memory_space<hbm>>) target(%arg8 : memref<64x512xf32, #tpu.memory_space<vmem>>) offsets(%dma_start3A_17 : memref<64xi32, #tpu.memory_space<vmem>>) semaphore(%arg11 : memref<!tpu.dma_semaphore, #tpu.memory_space<semaphore_mem>>)
    %add3A_21 = arith.constant 0 : i32
    %add3A_22 = arith.addi %mul3A_2, %add3A_21 : i32
    %dma_start3A_23 = arith.constant 0 : i32
    %dma_start3A_24 = tpu.memref_slice %arg4[%add3A_22, %dma_start3A_23] : memref<32768x512xf32, #tpu.memory_space<hbm>> -> memref<64x512xf32, #tpu.memory_space<hbm>>
    %dma_start3A_25 = arith.constant 0 : i32
    %dma_start3A_26 = tpu.memref_slice %arg4[%add3A_22, %dma_start3A_25] : memref<32768x512xf32, #tpu.memory_space<hbm>> -> memref<64x512xf32, #tpu.memory_space<hbm>>
    tpu.enqueue_dma source(%arg6 : memref<64x512xf32, #tpu.memory_space<vmem>>) target(%dma_start3A_26 : memref<64x512xf32, #tpu.memory_space<hbm>>) target_semaphore(%arg12 : memref<!tpu.dma_semaphore, #tpu.memory_space<semaphore_mem>>)
    %dma_wait3A_27 = arith.constant 64 : i32
    %dma_wait3A_28 = tpu.memref_slice %arg5[%dma_wait3A_27] : memref<1024xi32, #tpu.memory_space<vmem>> -> memref<64xi32, #tpu.memory_space<vmem>>
    %dma_wait3A_29 = arith.constant 0 : i32
    %dma_wait3A_30 = arith.constant 0 : i32
    %dma_wait3A_31 = tpu.memref_slice %arg3[%dma_wait3A_29, %dma_wait3A_30] : memref<256x512xf32, #tpu.memory_space<hbm>> -> memref<256x512xf32, #tpu.memory_space<hbm>>
    tpu.wait_indirect_dma semaphore(%arg10 : memref<!tpu.dma_semaphore, #tpu.memory_space<semaphore_mem>>) src(%dma_wait3A_31 : memref<256x512xf32, #tpu.memory_space<hbm>>) dst(%arg7 : memref<64x512xf32, #tpu.memory_space<vmem>>)
    %dma_wait3A_32 = arith.constant 0 : i32
    %dma_wait3A_33 = tpu.memref_slice %arg4[%add3A_22, %dma_wait3A_32] : memref<32768x512xf32, #tpu.memory_space<hbm>> -> memref<64x512xf32, #tpu.memory_space<hbm>>
    %dma_wait3A_34 = arith.constant 0 : i32
    %dma_wait3A_35 = tpu.memref_slice %arg4[%add3A_22, %dma_wait3A_34] : memref<32768x512xf32, #tpu.memory_space<hbm>> -> memref<64x512xf32, #tpu.memory_space<hbm>>
    tpu.wait_dma2 semaphore(%arg12 : memref<!tpu.dma_semaphore, #tpu.memory_space<semaphore_mem>>) src(%arg6 : memref<64x512xf32, #tpu.memory_space<vmem>>) dst(%dma_wait3A_35 : memref<64x512xf32, #tpu.memory_space<hbm>>)
    %dma_start3A_36 = arith.constant 192 : i32
    %dma_start3A_37 = tpu.memref_slice %arg5[%dma_start3A_36] : memref<1024xi32, #tpu.memory_space<vmem>> -> memref<64xi32, #tpu.memory_space<vmem>>
    %dma_start3A_38 = arith.constant 0 : i32
    %dma_start3A_39 = arith.constant 0 : i32
    %dma_start3A_40 = tpu.memref_slice %arg3[%dma_start3A_38, %dma_start3A_39] : memref<256x512xf32, #tpu.memory_space<hbm>> -> memref<256x512xf32, #tpu.memory_space<hbm>>
    tpu.enqueue_indirect_dma source(%dma_start3A_40 : memref<256x512xf32, #tpu.memory_space<hbm>>) target(%arg6 : memref<64x512xf32, #tpu.memory_space<vmem>>) offsets(%dma_start3A_37 : memref<64xi32, #tpu.memory_space<vmem>>) semaphore(%arg9 : memref<!tpu.dma_semaphore, #tpu.memory_space<semaphore_mem>>)
    %add3A_41 = arith.constant 64 : i32
    %add3A_42 = arith.addi %mul3A_2, %add3A_41 : i32
    %dma_start3A_43 = arith.constant 0 : i32
    %dma_start3A_44 = tpu.memref_slice %arg4[%add3A_42, %dma_start3A_43] : memref<32768x512xf32, #tpu.memory_space<hbm>> -> memref<64x512xf32, #tpu.memory_space<hbm>>
    %dma_start3A_45 = arith.constant 0 : i32
    %dma_start3A_46 = tpu.memref_slice %arg4[%add3A_42, %dma_start3A_45] : memref<32768x512xf32, #tpu.memory_space<hbm>> -> memref<64x512xf32, #tpu.memory_space<hbm>>
    tpu.enqueue_dma source(%arg7 : memref<64x512xf32, #tpu.memory_space<vmem>>) target(%dma_start3A_46 : memref<64x512xf32, #tpu.memory_space<hbm>>) target_semaphore(%arg13 : memref<!tpu.dma_semaphore, #tpu.memory_space<semaphore_mem>>)
    %dma_wait3A_47 = arith.constant 128 : i32
    %dma_wait3A_48 = tpu.memref_slice %arg5[%dma_wait3A_47] : memref<1024xi32, #tpu.memory_space<vmem>> -> memref<64xi32, #tpu.memory_space<vmem>>
    %dma_wait3A_49 = arith.constant 0 : i32
    %dma_wait3A_50 = arith.constant 0 : i32
    %dma_wait3A_51 = tpu.memref_slice %arg3[%dma_wait3A_49, %dma_wait3A_50] : memref<256x512xf32, #tpu.memory_space<hbm>> -> memref<256x512xf32, #tpu.memory_space<hbm>>
    tpu.wait_indirect_dma semaphore(%arg11 : memref<!tpu.dma_semaphore, #tpu.memory_space<semaphore_mem>>) src(%dma_wait3A_51 : memref<256x512xf32, #tpu.memory_space<hbm>>) dst(%arg8 : memref<64x512xf32, #tpu.memory_space<vmem>>)
    %dma_wait3A_52 = arith.constant 0 : i32
    %dma_wait3A_53 = tpu.memref_slice %arg4[%add3A_42, %dma_wait3A_52] : memref<32768x512xf32, #tpu.memory_space<hbm>> -> memref<64x512xf32, #tpu.memory_space<hbm>>
    %dma_wait3A_54 = arith.constant 0 : i32
    %dma_wait3A_55 = tpu.memref_slice %arg4[%add3A_42, %dma_wait3A_54] : memref<32768x512xf32, #tpu.memory_space<hbm>> -> memref<64x512xf32, #tpu.memory_space<hbm>>
    tpu.wait_dma2 semaphore(%arg13 : memref<!tpu.dma_semaphore, #tpu.memory_space<semaphore_mem>>) src(%arg7 : memref<64x512xf32, #tpu.memory_space<vmem>>) dst(%dma_wait3A_55 : memref<64x512xf32, #tpu.memory_space<hbm>>)
    %dma_start3A_56 = arith.constant 256 : i32
    %dma_start3A_57 = tpu.memref_slice %arg5[%dma_start3A_56] : memref<1024xi32, #tpu.memory_space<vmem>> -> memref<64xi32, #tpu.memory_space<vmem>>
    %dma_start3A_58 = arith.constant 0 : i32
    %dma_start3A_59 = arith.constant 0 : i32
    %dma_start3A_60 = tpu.memref_slice %arg3[%dma_start3A_58, %dma_start3A_59] : memref<256x512xf32, #tpu.memory_space<hbm>> -> memref<256x512xf32, #tpu.memory_space<hbm>>
    tpu.enqueue_indirect_dma source(%dma_start3A_60 : memref<256x512xf32, #tpu.memory_space<hbm>>) target(%arg7 : memref<64x512xf32, #tpu.memory_space<vmem>>) offsets(%dma_start3A_57 : memref<64xi32, #tpu.memory_space<vmem>>) semaphore(%arg10 : memref<!tpu.dma_semaphore, #tpu.memory_space<semaphore_mem>>)
    %add3A_61 = arith.constant 128 : i32
    %add3A_62 = arith.addi %mul3A_2, %add3A_61 : i32
    %dma_start3A_63 = arith.constant 0 : i32
    %dma_start3A_64 = tpu.memref_slice %arg4[%add3A_62, %dma_start3A_63] : memref<32768x512xf32, #tpu.memory_space<hbm>> -> memref<64x512xf32, #tpu.memory_space<hbm>>
    %dma_start3A_65 = arith.constant 0 : i32
    %dma_start3A_66 = tpu.memref_slice %arg4[%add3A_62, %dma_start3A_65] : memref<32768x512xf32, #tpu.memory_space<hbm>> -> memref<64x512xf32, #tpu.memory_space<hbm>>
    tpu.enqueue_dma source(%arg8 : memref<64x512xf32, #tpu.memory_space<vmem>>) target(%dma_start3A_66 : memref<64x512xf32, #tpu.memory_space<hbm>>) target_semaphore(%arg14 : memref<!tpu.dma_semaphore, #tpu.memory_space<semaphore_mem>>)
    %dma_wait3A_67 = arith.constant 192 : i32
    %dma_wait3A_68 = tpu.memref_slice %arg5[%dma_wait3A_67] : memref<1024xi32, #tpu.memory_space<vmem>> -> memref<64xi32, #tpu.memory_space<vmem>>
    %dma_wait3A_69 = arith.constant 0 : i32
    %dma_wait3A_70 = arith.constant 0 : i32
    %dma_wait3A_71 = tpu.memref_slice %arg3[%dma_wait3A_69, %dma_wait3A_70] : memref<256x512xf32, #tpu.memory_space<hbm>> -> memref<256x512xf32, #tpu.memory_space<hbm>>
    tpu.wait_indirect_dma semaphore(%arg9 : memref<!tpu.dma_semaphore, #tpu.memory_space<semaphore_mem>>) src(%dma_wait3A_71 : memref<256x512xf32, #tpu.memory_space<hbm>>) dst(%arg6 : memref<64x512xf32, #tpu.memory_space<vmem>>)
    %dma_wait3A_72 = arith.constant 0 : i32
    %dma_wait3A_73 = tpu.memref_slice %arg4[%add3A_62, %dma_wait3A_72] : memref<32768x512xf32, #tpu.memory_space<hbm>> -> memref<64x512xf32, #tpu.memory_space<hbm>>
    %dma_wait3A_74 = arith.constant 0 : i32
    %dma_wait3A_75 = tpu.memref_slice %arg4[%add3A_62, %dma_wait3A_74] : memref<32768x512xf32, #tpu.memory_space<hbm>> -> memref<64x512xf32, #tpu.memory_space<hbm>>
    tpu.wait_dma2 semaphore(%arg14 : memref<!tpu.dma_semaphore, #tpu.memory_space<semaphore_mem>>) src(%arg8 : memref<64x512xf32, #tpu.memory_space<vmem>>) dst(%dma_wait3A_75 : memref<64x512xf32, #tpu.memory_space<hbm>>)
    %dma_start3A_76 = arith.constant 320 : i32
    %dma_start3A_77 = tpu.memref_slice %arg5[%dma_start3A_76] : memref<1024xi32, #tpu.memory_space<vmem>> -> memref<64xi32, #tpu.memory_space<vmem>>
    %dma_start3A_78 = arith.constant 0 : i32
    %dma_start3A_79 = arith.constant 0 : i32
    %dma_start3A_80 = tpu.memref_slice %arg3[%dma_start3A_78, %dma_start3A_79] : memref<256x512xf32, #tpu.memory_space<hbm>> -> memref<256x512xf32, #tpu.memory_space<hbm>>
    tpu.enqueue_indirect_dma source(%dma_start3A_80 : memref<256x512xf32, #tpu.memory_space<hbm>>) target(%arg8 : memref<64x512xf32, #tpu.memory_space<vmem>>) offsets(%dma_start3A_77 : memref<64xi32, #tpu.memory_space<vmem>>) semaphore(%arg11 : memref<!tpu.dma_semaphore, #tpu.memory_space<semaphore_mem>>)
    %add3A_81 = arith.constant 192 : i32
    %add3A_82 = arith.addi %mul3A_2, %add3A_81 : i32
    %dma_start3A_83 = arith.constant 0 : i32
    %dma_start3A_84 = tpu.memref_slice %arg4[%add3A_82, %dma_start3A_83] : memref<32768x512xf32, #tpu.memory_space<hbm>> -> memref<64x512xf32, #tpu.memory_space<hbm>>
    %dma_start3A_85 = arith.constant 0 : i32
    %dma_start3A_86 = tpu.memref_slice %arg4[%add3A_82, %dma_start3A_85] : memref<32768x512xf32, #tpu.memory_space<hbm>> -> memref<64x512xf32, #tpu.memory_space<hbm>>
    tpu.enqueue_dma source(%arg6 : memref<64x512xf32, #tpu.memory_space<vmem>>) target(%dma_start3A_86 : memref<64x512xf32, #tpu.memory_space<hbm>>) target_semaphore(%arg12 : memref<!tpu.dma_semaphore, #tpu.memory_space<semaphore_mem>>)
    %dma_wait3A_87 = arith.constant 256 : i32
    %dma_wait3A_88 = tpu.memref_slice %arg5[%dma_wait3A_87] : memref<1024xi32, #tpu.memory_space<vmem>> -> memref<64xi32, #tpu.memory_space<vmem>>
    %dma_wait3A_89 = arith.constant 0 : i32
    %dma_wait3A_90 = arith.constant 0 : i32
    %dma_wait3A_91 = tpu.memref_slice %arg3[%dma_wait3A_89, %dma_wait3A_90] : memref<256x512xf32, #tpu.memory_space<hbm>> -> memref<256x512xf32, #tpu.memory_space<hbm>>
    tpu.wait_indirect_dma semaphore(%arg10 : memref<!tpu.dma_semaphore, #tpu.memory_space<semaphore_mem>>) src(%dma_wait3A_91 : memref<256x512xf32, #tpu.memory_space<hbm>>) dst(%arg7 : memref<64x512xf32, #tpu.memory_space<vmem>>)
    %dma_wait3A_92 = arith.constant 0 : i32
    %dma_wait3A_93 = tpu.memref_slice %arg4[%add3A_82, %dma_wait3A_92] : memref<32768x512xf32, #tpu.memory_space<hbm>> -> memref<64x512xf32, #tpu.memory_space<hbm>>
    %dma_wait3A_94 = arith.constant 0 : i32
    %dma_wait3A_95 = tpu.memref_slice %arg4[%add3A_82, %dma_wait3A_94] : memref<32768x512xf32, #tpu.memory_space<hbm>> -> memref<64x512xf32, #tpu.memory_space<hbm>>
    tpu.wait_dma2 semaphore(%arg12 : memref<!tpu.dma_semaphore, #tpu.memory_space<semaphore_mem>>) src(%arg6 : memref<64x512xf32, #tpu.memory_space<vmem>>) dst(%dma_wait3A_95 : memref<64x512xf32, #tpu.memory_space<hbm>>)
    %dma_start3A_96 = arith.constant 384 : i32
    %dma_start3A_97 = tpu.memref_slice %arg5[%dma_start3A_96] : memref<1024xi32, #tpu.memory_space<vmem>> -> memref<64xi32, #tpu.memory_space<vmem>>
    %dma_start3A_98 = arith.constant 0 : i32
    %dma_start3A_99 = arith.constant 0 : i32
    %dma_start3A_100 = tpu.memref_slice %arg3[%dma_start3A_98, %dma_start3A_99] : memref<256x512xf32, #tpu.memory_space<hbm>> -> memref<256x512xf32, #tpu.memory_space<hbm>>
    tpu.enqueue_indirect_dma source(%dma_start3A_100 : memref<256x512xf32, #tpu.memory_space<hbm>>) target(%arg6 : memref<64x512xf32, #tpu.memory_space<vmem>>) offsets(%dma_start3A_97 : memref<64xi32, #tpu.memory_space<vmem>>) semaphore(%arg9 : memref<!tpu.dma_semaphore, #tpu.memory_space<semaphore_mem>>)
    %add3A_101 = arith.constant 256 : i32
    %add3A_102 = arith.addi %mul3A_2, %add3A_101 : i32
    %dma_start3A_103 = arith.constant 0 : i32
    %dma_start3A_104 = tpu.memref_slice %arg4[%add3A_102, %dma_start3A_103] : memref<32768x512xf32, #tpu.memory_space<hbm>> -> memref<64x512xf32, #tpu.memory_space<hbm>>
    %dma_start3A_105 = arith.constant 0 : i32
    %dma_start3A_106 = tpu.memref_slice %arg4[%add3A_102, %dma_start3A_105] : memref<32768x512xf32, #tpu.memory_space<hbm>> -> memref<64x512xf32, #tpu.memory_space<hbm>>
    tpu.enqueue_dma source(%arg7 : memref<64x512xf32, #tpu.memory_space<vmem>>) target(%dma_start3A_106 : memref<64x512xf32, #tpu.memory_space<hbm>>) target_semaphore(%arg13 : memref<!tpu.dma_semaphore, #tpu.memory_space<semaphore_mem>>)
    %dma_wait3A_107 = arith.constant 320 : i32
    %dma_wait3A_108 = tpu.memref_slice %arg5[%dma_wait3A_107] : memref<1024xi32, #tpu.memory_space<vmem>> -> memref<64xi32, #tpu.memory_space<vmem>>
    %dma_wait3A_109 = arith.constant 0 : i32
    %dma_wait3A_110 = arith.constant 0 : i32
    %dma_wait3A_111 = tpu.memref_slice %arg3[%dma_wait3A_109, %dma_wait3A_110] : memref<256x512xf32, #tpu.memory_space<hbm>> -> memref<256x512xf32, #tpu.memory_space<hbm>>
    tpu.wait_indirect_dma semaphore(%arg11 : memref<!tpu.dma_semaphore, #tpu.memory_space<semaphore_mem>>) src(%dma_wait3A_111 : memref<256x512xf32, #tpu.memory_space<hbm>>) dst(%arg8 : memref<64x512xf32, #tpu.memory_space<vmem>>)
    %dma_wait3A_112 = arith.constant 0 : i32
    %dma_wait3A_113 = tpu.memref_slice %arg4[%add3A_102, %dma_wait3A_112] : memref<32768x512xf32, #tpu.memory_space<hbm>> -> memref<64x512xf32, #tpu.memory_space<hbm>>
    %dma_wait3A_114 = arith.constant 0 : i32
    %dma_wait3A_115 = tpu.memref_slice %arg4[%add3A_102, %dma_wait3A_114] : memref<32768x512xf32, #tpu.memory_space<hbm>> -> memref<64x512xf32, #tpu.memory_space<hbm>>
    tpu.wait_dma2 semaphore(%arg13 : memref<!tpu.dma_semaphore, #tpu.memory_space<semaphore_mem>>) src(%arg7 : memref<64x512xf32, #tpu.memory_space<vmem>>) dst(%dma_wait3A_115 : memref<64x512xf32, #tpu.memory_space<hbm>>)
    %dma_start3A_116 = arith.constant 448 : i32
    %dma_start3A_117 = tpu.memref_slice %arg5[%dma_start3A_116] : memref<1024xi32, #tpu.memory_space<vmem>> -> memref<64xi32, #tpu.memory_space<vmem>>
    %dma_start3A_118 = arith.constant 0 : i32
    %dma_start3A_119 = arith.constant 0 : i32
    %dma_start3A_120 = tpu.memref_slice %arg3[%dma_start3A_118, %dma_start3A_119] : memref<256x512xf32, #tpu.memory_space<hbm>> -> memref<256x512xf32, #tpu.memory_space<hbm>>
    tpu.enqueue_indirect_dma source(%dma_start3A_120 : memref<256x512xf32, #tpu.memory_space<hbm>>) target(%arg7 : memref<64x512xf32, #tpu.memory_space<vmem>>) offsets(%dma_start3A_117 : memref<64xi32, #tpu.memory_space<vmem>>) semaphore(%arg10 : memref<!tpu.dma_semaphore, #tpu.memory_space<semaphore_mem>>)
    %add3A_121 = arith.constant 320 : i32
    %add3A_122 = arith.addi %mul3A_2, %add3A_121 : i32
    %dma_start3A_123 = arith.constant 0 : i32
    %dma_start3A_124 = tpu.memref_slice %arg4[%add3A_122, %dma_start3A_123] : memref<32768x512xf32, #tpu.memory_space<hbm>> -> memref<64x512xf32, #tpu.memory_space<hbm>>
    %dma_start3A_125 = arith.constant 0 : i32
    %dma_start3A_126 = tpu.memref_slice %arg4[%add3A_122, %dma_start3A_125] : memref<32768x512xf32, #tpu.memory_space<hbm>> -> memref<64x512xf32, #tpu.memory_space<hbm>>
    tpu.enqueue_dma source(%arg8 : memref<64x512xf32, #tpu.memory_space<vmem>>) target(%dma_start3A_126 : memref<64x512xf32, #tpu.memory_space<hbm>>) target_semaphore(%arg14 : memref<!tpu.dma_semaphore, #tpu.memory_space<semaphore_mem>>)
    %dma_wait3A_127 = arith.constant 384 : i32
    %dma_wait3A_128 = tpu.memref_slice %arg5[%dma_wait3A_127] : memref<1024xi32, #tpu.memory_space<vmem>> -> memref<64xi32, #tpu.memory_space<vmem>>
    %dma_wait3A_129 = arith.constant 0 : i32
    %dma_wait3A_130 = arith.constant 0 : i32
    %dma_wait3A_131 = tpu.memref_slice %arg3[%dma_wait3A_129, %dma_wait3A_130] : memref<256x512xf32, #tpu.memory_space<hbm>> -> memref<256x512xf32, #tpu.memory_space<hbm>>
    tpu.wait_indirect_dma semaphore(%arg9 : memref<!tpu.dma_semaphore, #tpu.memory_space<semaphore_mem>>) src(%dma_wait3A_131 : memref<256x512xf32, #tpu.memory_space<hbm>>) dst(%arg6 : memref<64x512xf32, #tpu.memory_space<vmem>>)
    %dma_wait3A_132 = arith.constant 0 : i32
    %dma_wait3A_133 = tpu.memref_slice %arg4[%add3A_122, %dma_wait3A_132] : memref<32768x512xf32, #tpu.memory_space<hbm>> -> memref<64x512xf32, #tpu.memory_space<hbm>>
    %dma_wait3A_134 = arith.constant 0 : i32
    %dma_wait3A_135 = tpu.memref_slice %arg4[%add3A_122, %dma_wait3A_134] : memref<32768x512xf32, #tpu.memory_space<hbm>> -> memref<64x512xf32, #tpu.memory_space<hbm>>
    tpu.wait_dma2 semaphore(%arg14 : memref<!tpu.dma_semaphore, #tpu.memory_space<semaphore_mem>>) src(%arg8 : memref<64x512xf32, #tpu.memory_space<vmem>>) dst(%dma_wait3A_135 : memref<64x512xf32, #tpu.memory_space<hbm>>)
    %dma_start3A_136 = arith.constant 512 : i32
    %dma_start3A_137 = tpu.memref_slice %arg5[%dma_start3A_136] : memref<1024xi32, #tpu.memory_space<vmem>> -> memref<64xi32, #tpu.memory_space<vmem>>
    %dma_start3A_138 = arith.constant 0 : i32
    %dma_start3A_139 = arith.constant 0 : i32
    %dma_start3A_140 = tpu.memref_slice %arg3[%dma_start3A_138, %dma_start3A_139] : memref<256x512xf32, #tpu.memory_space<hbm>> -> memref<256x512xf32, #tpu.memory_space<hbm>>
    tpu.enqueue_indirect_dma source(%dma_start3A_140 : memref<256x512xf32, #tpu.memory_space<hbm>>) target(%arg8 : memref<64x512xf32, #tpu.memory_space<vmem>>) offsets(%dma_start3A_137 : memref<64xi32, #tpu.memory_space<vmem>>) semaphore(%arg11 : memref<!tpu.dma_semaphore, #tpu.memory_space<semaphore_mem>>)
    %add3A_141 = arith.constant 384 : i32
    %add3A_142 = arith.addi %mul3A_2, %add3A_141 : i32
    %dma_start3A_143 = arith.constant 0 : i32
    %dma_start3A_144 = tpu.memref_slice %arg4[%add3A_142, %dma_start3A_143] : memref<32768x512xf32, #tpu.memory_space<hbm>> -> memref<64x512xf32, #tpu.memory_space<hbm>>
    %dma_start3A_145 = arith.constant 0 : i32
    %dma_start3A_146 = tpu.memref_slice %arg4[%add3A_142, %dma_start3A_145] : memref<32768x512xf32, #tpu.memory_space<hbm>> -> memref<64x512xf32, #tpu.memory_space<hbm>>
    tpu.enqueue_dma source(%arg6 : memref<64x512xf32, #tpu.memory_space<vmem>>) target(%dma_start3A_146 : memref<64x512xf32, #tpu.memory_space<hbm>>) target_semaphore(%arg12 : memref<!tpu.dma_semaphore, #tpu.memory_space<semaphore_mem>>)
    %dma_wait3A_147 = arith.constant 448 : i32
    %dma_wait3A_148 = tpu.memref_slice %arg5[%dma_wait3A_147] : memref<1024xi32, #tpu.memory_space<vmem>> -> memref<64xi32, #tpu.memory_space<vmem>>
    %dma_wait3A_149 = arith.constant 0 : i32
    %dma_wait3A_150 = arith.constant 0 : i32
    %dma_wait3A_151 = tpu.memref_slice %arg3[%dma_wait3A_149, %dma_wait3A_150] : memref<256x512xf32, #tpu.memory_space<hbm>> -> memref<256x512xf32, #tpu.memory_space<hbm>>
    tpu.wait_indirect_dma semaphore(%arg10 : memref<!tpu.dma_semaphore, #tpu.memory_space<semaphore_mem>>) src(%dma_wait3A_151 : memref<256x512xf32, #tpu.memory_space<hbm>>) dst(%arg7 : memref<64x512xf32, #tpu.memory_space<vmem>>)
    %dma_wait3A_152 = arith.constant 0 : i32
    %dma_wait3A_153 = tpu.memref_slice %arg4[%add3A_142, %dma_wait3A_152] : memref<32768x512xf32, #tpu.memory_space<hbm>> -> memref<64x512xf32, #tpu.memory_space<hbm>>
    %dma_wait3A_154 = arith.constant 0 : i32
    %dma_wait3A_155 = tpu.memref_slice %arg4[%add3A_142, %dma_wait3A_154] : memref<32768x512xf32, #tpu.memory_space<hbm>> -> memref<64x512xf32, #tpu.memory_space<hbm>>
    tpu.wait_dma2 semaphore(%arg12 : memref<!tpu.dma_semaphore, #tpu.memory_space<semaphore_mem>>) src(%arg6 : memref<64x512xf32, #tpu.memory_space<vmem>>) dst(%dma_wait3A_155 : memref<64x512xf32, #tpu.memory_space<hbm>>)
    %dma_start3A_156 = arith.constant 576 : i32
    %dma_start3A_157 = tpu.memref_slice %arg5[%dma_start3A_156] : memref<1024xi32, #tpu.memory_space<vmem>> -> memref<64xi32, #tpu.memory_space<vmem>>
    %dma_start3A_158 = arith.constant 0 : i32
    %dma_start3A_159 = arith.constant 0 : i32
    %dma_start3A_160 = tpu.memref_slice %arg3[%dma_start3A_158, %dma_start3A_159] : memref<256x512xf32, #tpu.memory_space<hbm>> -> memref<256x512xf32, #tpu.memory_space<hbm>>
    tpu.enqueue_indirect_dma source(%dma_start3A_160 : memref<256x512xf32, #tpu.memory_space<hbm>>) target(%arg6 : memref<64x512xf32, #tpu.memory_space<vmem>>) offsets(%dma_start3A_157 : memref<64xi32, #tpu.memory_space<vmem>>) semaphore(%arg9 : memref<!tpu.dma_semaphore, #tpu.memory_space<semaphore_mem>>)
    %add3A_161 = arith.constant 448 : i32
    %add3A_162 = arith.addi %mul3A_2, %add3A_161 : i32
    %dma_start3A_163 = arith.constant 0 : i32
    %dma_start3A_164 = tpu.memref_slice %arg4[%add3A_162, %dma_start3A_163] : memref<32768x512xf32, #tpu.memory_space<hbm>> -> memref<64x512xf32, #tpu.memory_space<hbm>>
    %dma_start3A_165 = arith.constant 0 : i32
    %dma_start3A_166 = tpu.memref_slice %arg4[%add3A_162, %dma_start3A_165] : memref<32768x512xf32, #tpu.memory_space<hbm>> -> memref<64x512xf32, #tpu.memory_space<hbm>>
    tpu.enqueue_dma source(%arg7 : memref<64x512xf32, #tpu.memory_space<vmem>>) target(%dma_start3A_166 : memref<64x512xf32, #tpu.memory_space<hbm>>) target_semaphore(%arg13 : memref<!tpu.dma_semaphore, #tpu.memory_space<semaphore_mem>>)
    %dma_wait3A_167 = arith.constant 512 : i32
    %dma_wait3A_168 = tpu.memref_slice %arg5[%dma_wait3A_167] : memref<1024xi32, #tpu.memory_space<vmem>> -> memref<64xi32, #tpu.memory_space<vmem>>
    %dma_wait3A_169 = arith.constant 0 : i32
    %dma_wait3A_170 = arith.constant 0 : i32
    %dma_wait3A_171 = tpu.memref_slice %arg3[%dma_wait3A_169, %dma_wait3A_170] : memref<256x512xf32, #tpu.memory_space<hbm>> -> memref<256x512xf32, #tpu.memory_space<hbm>>
    tpu.wait_indirect_dma semaphore(%arg11 : memref<!tpu.dma_semaphore, #tpu.memory_space<semaphore_mem>>) src(%dma_wait3A_171 : memref<256x512xf32, #tpu.memory_space<hbm>>) dst(%arg8 : memref<64x512xf32, #tpu.memory_space<vmem>>)
    %dma_wait3A_172 = arith.constant 0 : i32
    %dma_wait3A_173 = tpu.memref_slice %arg4[%add3A_162, %dma_wait3A_172] : memref<32768x512xf32, #tpu.memory_space<hbm>> -> memref<64x512xf32, #tpu.memory_space<hbm>>
    %dma_wait3A_174 = arith.constant 0 : i32
    %dma_wait3A_175 = tpu.memref_slice %arg4[%add3A_162, %dma_wait3A_174] : memref<32768x512xf32, #tpu.memory_space<hbm>> -> memref<64x512xf32, #tpu.memory_space<hbm>>
    tpu.wait_dma2 semaphore(%arg13 : memref<!tpu.dma_semaphore, #tpu.memory_space<semaphore_mem>>) src(%arg7 : memref<64x512xf32, #tpu.memory_space<vmem>>) dst(%dma_wait3A_175 : memref<64x512xf32, #tpu.memory_space<hbm>>)
    %dma_start3A_176 = arith.constant 640 : i32
    %dma_start3A_177 = tpu.memref_slice %arg5[%dma_start3A_176] : memref<1024xi32, #tpu.memory_space<vmem>> -> memref<64xi32, #tpu.memory_space<vmem>>
    %dma_start3A_178 = arith.constant 0 : i32
    %dma_start3A_179 = arith.constant 0 : i32
    %dma_start3A_180 = tpu.memref_slice %arg3[%dma_start3A_178, %dma_start3A_179] : memref<256x512xf32, #tpu.memory_space<hbm>> -> memref<256x512xf32, #tpu.memory_space<hbm>>
    tpu.enqueue_indirect_dma source(%dma_start3A_180 : memref<256x512xf32, #tpu.memory_space<hbm>>) target(%arg7 : memref<64x512xf32, #tpu.memory_space<vmem>>) offsets(%dma_start3A_177 : memref<64xi32, #tpu.memory_space<vmem>>) semaphore(%arg10 : memref<!tpu.dma_semaphore, #tpu.memory_space<semaphore_mem>>)
    %add3A_181 = arith.constant 512 : i32
    %add3A_182 = arith.addi %mul3A_2, %add3A_181 : i32
    %dma_start3A_183 = arith.constant 0 : i32
    %dma_start3A_184 = tpu.memref_slice %arg4[%add3A_182, %dma_start3A_183] : memref<32768x512xf32, #tpu.memory_space<hbm>> -> memref<64x512xf32, #tpu.memory_space<hbm>>
    %dma_start3A_185 = arith.constant 0 : i32
    %dma_start3A_186 = tpu.memref_slice %arg4[%add3A_182, %dma_start3A_185] : memref<32768x512xf32, #tpu.memory_space<hbm>> -> memref<64x512xf32, #tpu.memory_space<hbm>>
    tpu.enqueue_dma source(%arg8 : memref<64x512xf32, #tpu.memory_space<vmem>>) target(%dma_start3A_186 : memref<64x512xf32, #tpu.memory_space<hbm>>) target_semaphore(%arg14 : memref<!tpu.dma_semaphore, #tpu.memory_space<semaphore_mem>>)
    %dma_wait3A_187 = arith.constant 576 : i32
    %dma_wait3A_188 = tpu.memref_slice %arg5[%dma_wait3A_187] : memref<1024xi32, #tpu.memory_space<vmem>> -> memref<64xi32, #tpu.memory_space<vmem>>
    %dma_wait3A_189 = arith.constant 0 : i32
    %dma_wait3A_190 = arith.constant 0 : i32
    %dma_wait3A_191 = tpu.memref_slice %arg3[%dma_wait3A_189, %dma_wait3A_190] : memref<256x512xf32, #tpu.memory_space<hbm>> -> memref<256x512xf32, #tpu.memory_space<hbm>>
    tpu.wait_indirect_dma semaphore(%arg9 : memref<!tpu.dma_semaphore, #tpu.memory_space<semaphore_mem>>) src(%dma_wait3A_191 : memref<256x512xf32, #tpu.memory_space<hbm>>) dst(%arg6 : memref<64x512xf32, #tpu.memory_space<vmem>>)
    %dma_wait3A_192 = arith.constant 0 : i32
    %dma_wait3A_193 = tpu.memref_slice %arg4[%add3A_182, %dma_wait3A_192] : memref<32768x512xf32, #tpu.memory_space<hbm>> -> memref<64x512xf32, #tpu.memory_space<hbm>>
    %dma_wait3A_194 = arith.constant 0 : i32
    %dma_wait3A_195 = tpu.memref_slice %arg4[%add3A_182, %dma_wait3A_194] : memref<32768x512xf32, #tpu.memory_space<hbm>> -> memref<64x512xf32, #tpu.memory_space<hbm>>
    tpu.wait_dma2 semaphore(%arg14 : memref<!tpu.dma_semaphore, #tpu.memory_space<semaphore_mem>>) src(%arg8 : memref<64x512xf32, #tpu.memory_space<vmem>>) dst(%dma_wait3A_195 : memref<64x512xf32, #tpu.memory_space<hbm>>)
    %dma_start3A_196 = arith.constant 704 : i32
    %dma_start3A_197 = tpu.memref_slice %arg5[%dma_start3A_196] : memref<1024xi32, #tpu.memory_space<vmem>> -> memref<64xi32, #tpu.memory_space<vmem>>
    %dma_start3A_198 = arith.constant 0 : i32
    %dma_start3A_199 = arith.constant 0 : i32
    %dma_start3A_200 = tpu.memref_slice %arg3[%dma_start3A_198, %dma_start3A_199] : memref<256x512xf32, #tpu.memory_space<hbm>> -> memref<256x512xf32, #tpu.memory_space<hbm>>
    tpu.enqueue_indirect_dma source(%dma_start3A_200 : memref<256x512xf32, #tpu.memory_space<hbm>>) target(%arg8 : memref<64x512xf32, #tpu.memory_space<vmem>>) offsets(%dma_start3A_197 : memref<64xi32, #tpu.memory_space<vmem>>) semaphore(%arg11 : memref<!tpu.dma_semaphore, #tpu.memory_space<semaphore_mem>>)
    %add3A_201 = arith.constant 576 : i32
    %add3A_202 = arith.addi %mul3A_2, %add3A_201 : i32
    %dma_start3A_203 = arith.constant 0 : i32
    %dma_start3A_204 = tpu.memref_slice %arg4[%add3A_202, %dma_start3A_203] : memref<32768x512xf32, #tpu.memory_space<hbm>> -> memref<64x512xf32, #tpu.memory_space<hbm>>
    %dma_start3A_205 = arith.constant 0 : i32
    %dma_start3A_206 = tpu.memref_slice %arg4[%add3A_202, %dma_start3A_205] : memref<32768x512xf32, #tpu.memory_space<hbm>> -> memref<64x512xf32, #tpu.memory_space<hbm>>
    tpu.enqueue_dma source(%arg6 : memref<64x512xf32, #tpu.memory_space<vmem>>) target(%dma_start3A_206 : memref<64x512xf32, #tpu.memory_space<hbm>>) target_semaphore(%arg12 : memref<!tpu.dma_semaphore, #tpu.memory_space<semaphore_mem>>)
    %dma_wait3A_207 = arith.constant 640 : i32
    %dma_wait3A_208 = tpu.memref_slice %arg5[%dma_wait3A_207] : memref<1024xi32, #tpu.memory_space<vmem>> -> memref<64xi32, #tpu.memory_space<vmem>>
    %dma_wait3A_209 = arith.constant 0 : i32
    %dma_wait3A_210 = arith.constant 0 : i32
    %dma_wait3A_211 = tpu.memref_slice %arg3[%dma_wait3A_209, %dma_wait3A_210] : memref<256x512xf32, #tpu.memory_space<hbm>> -> memref<256x512xf32, #tpu.memory_space<hbm>>
    tpu.wait_indirect_dma semaphore(%arg10 : memref<!tpu.dma_semaphore, #tpu.memory_space<semaphore_mem>>) src(%dma_wait3A_211 : memref<256x512xf32, #tpu.memory_space<hbm>>) dst(%arg7 : memref<64x512xf32, #tpu.memory_space<vmem>>)
    %dma_wait3A_212 = arith.constant 0 : i32
    %dma_wait3A_213 = tpu.memref_slice %arg4[%add3A_202, %dma_wait3A_212] : memref<32768x512xf32, #tpu.memory_space<hbm>> -> memref<64x512xf32, #tpu.memory_space<hbm>>
    %dma_wait3A_214 = arith.constant 0 : i32
    %dma_wait3A_215 = tpu.memref_slice %arg4[%add3A_202, %dma_wait3A_214] : memref<32768x512xf32, #tpu.memory_space<hbm>> -> memref<64x512xf32, #tpu.memory_space<hbm>>
    tpu.wait_dma2 semaphore(%arg12 : memref<!tpu.dma_semaphore, #tpu.memory_space<semaphore_mem>>) src(%arg6 : memref<64x512xf32, #tpu.memory_space<vmem>>) dst(%dma_wait3A_215 : memref<64x512xf32, #tpu.memory_space<hbm>>)
    %dma_start3A_216 = arith.constant 768 : i32
    %dma_start3A_217 = tpu.memref_slice %arg5[%dma_start3A_216] : memref<1024xi32, #tpu.memory_space<vmem>> -> memref<64xi32, #tpu.memory_space<vmem>>
    %dma_start3A_218 = arith.constant 0 : i32
    %dma_start3A_219 = arith.constant 0 : i32
    %dma_start3A_220 = tpu.memref_slice %arg3[%dma_start3A_218, %dma_start3A_219] : memref<256x512xf32, #tpu.memory_space<hbm>> -> memref<256x512xf32, #tpu.memory_space<hbm>>
    tpu.enqueue_indirect_dma source(%dma_start3A_220 : memref<256x512xf32, #tpu.memory_space<hbm>>) target(%arg6 : memref<64x512xf32, #tpu.memory_space<vmem>>) offsets(%dma_start3A_217 : memref<64xi32, #tpu.memory_space<vmem>>) semaphore(%arg9 : memref<!tpu.dma_semaphore, #tpu.memory_space<semaphore_mem>>)
    %add3A_221 = arith.constant 640 : i32
    %add3A_222 = arith.addi %mul3A_2, %add3A_221 : i32
    %dma_start3A_223 = arith.constant 0 : i32
    %dma_start3A_224 = tpu.memref_slice %arg4[%add3A_222, %dma_start3A_223] : memref<32768x512xf32, #tpu.memory_space<hbm>> -> memref<64x512xf32, #tpu.memory_space<hbm>>
    %dma_start3A_225 = arith.constant 0 : i32
    %dma_start3A_226 = tpu.memref_slice %arg4[%add3A_222, %dma_start3A_225] : memref<32768x512xf32, #tpu.memory_space<hbm>> -> memref<64x512xf32, #tpu.memory_space<hbm>>
    tpu.enqueue_dma source(%arg7 : memref<64x512xf32, #tpu.memory_space<vmem>>) target(%dma_start3A_226 : memref<64x512xf32, #tpu.memory_space<hbm>>) target_semaphore(%arg13 : memref<!tpu.dma_semaphore, #tpu.memory_space<semaphore_mem>>)
    %dma_wait3A_227 = arith.constant 704 : i32
    %dma_wait3A_228 = tpu.memref_slice %arg5[%dma_wait3A_227] : memref<1024xi32, #tpu.memory_space<vmem>> -> memref<64xi32, #tpu.memory_space<vmem>>
    %dma_wait3A_229 = arith.constant 0 : i32
    %dma_wait3A_230 = arith.constant 0 : i32
    %dma_wait3A_231 = tpu.memref_slice %arg3[%dma_wait3A_229, %dma_wait3A_230] : memref<256x512xf32, #tpu.memory_space<hbm>> -> memref<256x512xf32, #tpu.memory_space<hbm>>
    tpu.wait_indirect_dma semaphore(%arg11 : memref<!tpu.dma_semaphore, #tpu.memory_space<semaphore_mem>>) src(%dma_wait3A_231 : memref<256x512xf32, #tpu.memory_space<hbm>>) dst(%arg8 : memref<64x512xf32, #tpu.memory_space<vmem>>)
    %dma_wait3A_232 = arith.constant 0 : i32
    %dma_wait3A_233 = tpu.memref_slice %arg4[%add3A_222, %dma_wait3A_232] : memref<32768x512xf32, #tpu.memory_space<hbm>> -> memref<64x512xf32, #tpu.memory_space<hbm>>
    %dma_wait3A_234 = arith.constant 0 : i32
    %dma_wait3A_235 = tpu.memref_slice %arg4[%add3A_222, %dma_wait3A_234] : memref<32768x512xf32, #tpu.memory_space<hbm>> -> memref<64x512xf32, #tpu.memory_space<hbm>>
    tpu.wait_dma2 semaphore(%arg13 : memref<!tpu.dma_semaphore, #tpu.memory_space<semaphore_mem>>) src(%arg7 : memref<64x512xf32, #tpu.memory_space<vmem>>) dst(%dma_wait3A_235 : memref<64x512xf32, #tpu.memory_space<hbm>>)
    %dma_start3A_236 = arith.constant 832 : i32
    %dma_start3A_237 = tpu.memref_slice %arg5[%dma_start3A_236] : memref<1024xi32, #tpu.memory_space<vmem>> -> memref<64xi32, #tpu.memory_space<vmem>>
    %dma_start3A_238 = arith.constant 0 : i32
    %dma_start3A_239 = arith.constant 0 : i32
    %dma_start3A_240 = tpu.memref_slice %arg3[%dma_start3A_238, %dma_start3A_239] : memref<256x512xf32, #tpu.memory_space<hbm>> -> memref<256x512xf32, #tpu.memory_space<hbm>>
    tpu.enqueue_indirect_dma source(%dma_start3A_240 : memref<256x512xf32, #tpu.memory_space<hbm>>) target(%arg7 : memref<64x512xf32, #tpu.memory_space<vmem>>) offsets(%dma_start3A_237 : memref<64xi32, #tpu.memory_space<vmem>>) semaphore(%arg10 : memref<!tpu.dma_semaphore, #tpu.memory_space<semaphore_mem>>)
    %add3A_241 = arith.constant 704 : i32
    %add3A_242 = arith.addi %mul3A_2, %add3A_241 : i32
    %dma_start3A_243 = arith.constant 0 : i32
    %dma_start3A_244 = tpu.memref_slice %arg4[%add3A_242, %dma_start3A_243] : memref<32768x512xf32, #tpu.memory_space<hbm>> -> memref<64x512xf32, #tpu.memory_space<hbm>>
    %dma_start3A_245 = arith.constant 0 : i32
    %dma_start3A_246 = tpu.memref_slice %arg4[%add3A_242, %dma_start3A_245] : memref<32768x512xf32, #tpu.memory_space<hbm>> -> memref<64x512xf32, #tpu.memory_space<hbm>>
    tpu.enqueue_dma source(%arg8 : memref<64x512xf32, #tpu.memory_space<vmem>>) target(%dma_start3A_246 : memref<64x512xf32, #tpu.memory_space<hbm>>) target_semaphore(%arg14 : memref<!tpu.dma_semaphore, #tpu.memory_space<semaphore_mem>>)
    %dma_wait3A_247 = arith.constant 768 : i32
    %dma_wait3A_248 = tpu.memref_slice %arg5[%dma_wait3A_247] : memref<1024xi32, #tpu.memory_space<vmem>> -> memref<64xi32, #tpu.memory_space<vmem>>
    %dma_wait3A_249 = arith.constant 0 : i32
    %dma_wait3A_250 = arith.constant 0 : i32
    %dma_wait3A_251 = tpu.memref_slice %arg3[%dma_wait3A_249, %dma_wait3A_250] : memref<256x512xf32, #tpu.memory_space<hbm>> -> memref<256x512xf32, #tpu.memory_space<hbm>>
    tpu.wait_indirect_dma semaphore(%arg9 : memref<!tpu.dma_semaphore, #tpu.memory_space<semaphore_mem>>) src(%dma_wait3A_251 : memref<256x512xf32, #tpu.memory_space<hbm>>) dst(%arg6 : memref<64x512xf32, #tpu.memory_space<vmem>>)
    %dma_wait3A_252 = arith.constant 0 : i32
    %dma_wait3A_253 = tpu.memref_slice %arg4[%add3A_242, %dma_wait3A_252] : memref<32768x512xf32, #tpu.memory_space<hbm>> -> memref<64x512xf32, #tpu.memory_space<hbm>>
    %dma_wait3A_254 = arith.constant 0 : i32
    %dma_wait3A_255 = tpu.memref_slice %arg4[%add3A_242, %dma_wait3A_254] : memref<32768x512xf32, #tpu.memory_space<hbm>> -> memref<64x512xf32, #tpu.memory_space<hbm>>
    tpu.wait_dma2 semaphore(%arg14 : memref<!tpu.dma_semaphore, #tpu.memory_space<semaphore_mem>>) src(%arg8 : memref<64x512xf32, #tpu.memory_space<vmem>>) dst(%dma_wait3A_255 : memref<64x512xf32, #tpu.memory_space<hbm>>)
    %dma_start3A_256 = arith.constant 896 : i32
    %dma_start3A_257 = tpu.memref_slice %arg5[%dma_start3A_256] : memref<1024xi32, #tpu.memory_space<vmem>> -> memref<64xi32, #tpu.memory_space<vmem>>
    %dma_start3A_258 = arith.constant 0 : i32
    %dma_start3A_259 = arith.constant 0 : i32
    %dma_start3A_260 = tpu.memref_slice %arg3[%dma_start3A_258, %dma_start3A_259] : memref<256x512xf32, #tpu.memory_space<hbm>> -> memref<256x512xf32, #tpu.memory_space<hbm>>
    tpu.enqueue_indirect_dma source(%dma_start3A_260 : memref<256x512xf32, #tpu.memory_space<hbm>>) target(%arg8 : memref<64x512xf32, #tpu.memory_space<vmem>>) offsets(%dma_start3A_257 : memref<64xi32, #tpu.memory_space<vmem>>) semaphore(%arg11 : memref<!tpu.dma_semaphore, #tpu.memory_space<semaphore_mem>>)
    %add3A_261 = arith.constant 768 : i32
    %add3A_262 = arith.addi %mul3A_2, %add3A_261 : i32
    %dma_start3A_263 = arith.constant 0 : i32
    %dma_start3A_264 = tpu.memref_slice %arg4[%add3A_262, %dma_start3A_263] : memref<32768x512xf32, #tpu.memory_space<hbm>> -> memref<64x512xf32, #tpu.memory_space<hbm>>
    %dma_start3A_265 = arith.constant 0 : i32
    %dma_start3A_266 = tpu.memref_slice %arg4[%add3A_262, %dma_start3A_265] : memref<32768x512xf32, #tpu.memory_space<hbm>> -> memref<64x512xf32, #tpu.memory_space<hbm>>
    tpu.enqueue_dma source(%arg6 : memref<64x512xf32, #tpu.memory_space<vmem>>) target(%dma_start3A_266 : memref<64x512xf32, #tpu.memory_space<hbm>>) target_semaphore(%arg12 : memref<!tpu.dma_semaphore, #tpu.memory_space<semaphore_mem>>)
    %dma_wait3A_267 = arith.constant 832 : i32
    %dma_wait3A_268 = tpu.memref_slice %arg5[%dma_wait3A_267] : memref<1024xi32, #tpu.memory_space<vmem>> -> memref<64xi32, #tpu.memory_space<vmem>>
    %dma_wait3A_269 = arith.constant 0 : i32
    %dma_wait3A_270 = arith.constant 0 : i32
    %dma_wait3A_271 = tpu.memref_slice %arg3[%dma_wait3A_269, %dma_wait3A_270] : memref<256x512xf32, #tpu.memory_space<hbm>> -> memref<256x512xf32, #tpu.memory_space<hbm>>
    tpu.wait_indirect_dma semaphore(%arg10 : memref<!tpu.dma_semaphore, #tpu.memory_space<semaphore_mem>>) src(%dma_wait3A_271 : memref<256x512xf32, #tpu.memory_space<hbm>>) dst(%arg7 : memref<64x512xf32, #tpu.memory_space<vmem>>)
    %dma_wait3A_272 = arith.constant 0 : i32
    %dma_wait3A_273 = tpu.memref_slice %arg4[%add3A_262, %dma_wait3A_272] : memref<32768x512xf32, #tpu.memory_space<hbm>> -> memref<64x512xf32, #tpu.memory_space<hbm>>
    %dma_wait3A_274 = arith.constant 0 : i32
    %dma_wait3A_275 = tpu.memref_slice %arg4[%add3A_262, %dma_wait3A_274] : memref<32768x512xf32, #tpu.memory_space<hbm>> -> memref<64x512xf32, #tpu.memory_space<hbm>>
    tpu.wait_dma2 semaphore(%arg12 : memref<!tpu.dma_semaphore, #tpu.memory_space<semaphore_mem>>) src(%arg6 : memref<64x512xf32, #tpu.memory_space<vmem>>) dst(%dma_wait3A_275 : memref<64x512xf32, #tpu.memory_space<hbm>>)
    %dma_start3A_276 = arith.constant 960 : i32
    %dma_start3A_277 = tpu.memref_slice %arg5[%dma_start3A_276] : memref<1024xi32, #tpu.memory_space<vmem>> -> memref<64xi32, #tpu.memory_space<vmem>>
    %dma_start3A_278 = arith.constant 0 : i32
    %dma_start3A_279 = arith.constant 0 : i32
    %dma_start3A_280 = tpu.memref_slice %arg3[%dma_start3A_278, %dma_start3A_279] : memref<256x512xf32, #tpu.memory_space<hbm>> -> memref<256x512xf32, #tpu.memory_space<hbm>>
    tpu.enqueue_indirect_dma source(%dma_start3A_280 : memref<256x512xf32, #tpu.memory_space<hbm>>) target(%arg6 : memref<64x512xf32, #tpu.memory_space<vmem>>) offsets(%dma_start3A_277 : memref<64xi32, #tpu.memory_space<vmem>>) semaphore(%arg9 : memref<!tpu.dma_semaphore, #tpu.memory_space<semaphore_mem>>)
    %add3A_281 = arith.constant 832 : i32
    %add3A_282 = arith.addi %mul3A_2, %add3A_281 : i32
    %dma_start3A_283 = arith.constant 0 : i32
    %dma_start3A_284 = tpu.memref_slice %arg4[%add3A_282, %dma_start3A_283] : memref<32768x512xf32, #tpu.memory_space<hbm>> -> memref<64x512xf32, #tpu.memory_space<hbm>>
    %dma_start3A_285 = arith.constant 0 : i32
    %dma_start3A_286 = tpu.memref_slice %arg4[%add3A_282, %dma_start3A_285] : memref<32768x512xf32, #tpu.memory_space<hbm>> -> memref<64x512xf32, #tpu.memory_space<hbm>>
    tpu.enqueue_dma source(%arg7 : memref<64x512xf32, #tpu.memory_space<vmem>>) target(%dma_start3A_286 : memref<64x512xf32, #tpu.memory_space<hbm>>) target_semaphore(%arg13 : memref<!tpu.dma_semaphore, #tpu.memory_space<semaphore_mem>>)
    %dma_wait3A_287 = arith.constant 896 : i32
    %dma_wait3A_288 = tpu.memref_slice %arg5[%dma_wait3A_287] : memref<1024xi32, #tpu.memory_space<vmem>> -> memref<64xi32, #tpu.memory_space<vmem>>
    %dma_wait3A_289 = arith.constant 0 : i32
    %dma_wait3A_290 = arith.constant 0 : i32
    %dma_wait3A_291 = tpu.memref_slice %arg3[%dma_wait3A_289, %dma_wait3A_290] : memref<256x512xf32, #tpu.memory_space<hbm>> -> memref<256x512xf32, #tpu.memory_space<hbm>>
    tpu.wait_indirect_dma semaphore(%arg11 : memref<!tpu.dma_semaphore, #tpu.memory_space<semaphore_mem>>) src(%dma_wait3A_291 : memref<256x512xf32, #tpu.memory_space<hbm>>) dst(%arg8 : memref<64x512xf32, #tpu.memory_space<vmem>>)
    %add3A_292 = arith.constant 896 : i32
    %add3A_293 = arith.addi %mul3A_2, %add3A_292 : i32
    %dma_start3A_294 = arith.constant 0 : i32
    %dma_start3A_295 = tpu.memref_slice %arg4[%add3A_293, %dma_start3A_294] : memref<32768x512xf32, #tpu.memory_space<hbm>> -> memref<64x512xf32, #tpu.memory_space<hbm>>
    %dma_start3A_296 = arith.constant 0 : i32
    %dma_start3A_297 = tpu.memref_slice %arg4[%add3A_293, %dma_start3A_296] : memref<32768x512xf32, #tpu.memory_space<hbm>> -> memref<64x512xf32, #tpu.memory_space<hbm>>
    tpu.enqueue_dma source(%arg8 : memref<64x512xf32, #tpu.memory_space<vmem>>) target(%dma_start3A_297 : memref<64x512xf32, #tpu.memory_space<hbm>>) target_semaphore(%arg14 : memref<!tpu.dma_semaphore, #tpu.memory_space<semaphore_mem>>)
    %dma_wait3A_298 = arith.constant 960 : i32
    %dma_wait3A_299 = tpu.memref_slice %arg5[%dma_wait3A_298] : memref<1024xi32, #tpu.memory_space<vmem>> -> memref<64xi32, #tpu.memory_space<vmem>>
    %dma_wait3A_300 = arith.constant 0 : i32
    %dma_wait3A_301 = arith.constant 0 : i32
    %dma_wait3A_302 = tpu.memref_slice %arg3[%dma_wait3A_300, %dma_wait3A_301] : memref<256x512xf32, #tpu.memory_space<hbm>> -> memref<256x512xf32, #tpu.memory_space<hbm>>
    tpu.wait_indirect_dma semaphore(%arg9 : memref<!tpu.dma_semaphore, #tpu.memory_space<semaphore_mem>>) src(%dma_wait3A_302 : memref<256x512xf32, #tpu.memory_space<hbm>>) dst(%arg6 : memref<64x512xf32, #tpu.memory_space<vmem>>)
    %add3A_303 = arith.constant 960 : i32
    %add3A_304 = arith.addi %mul3A_2, %add3A_303 : i32
    %dma_start3A_305 = arith.constant 0 : i32
    %dma_start3A_306 = tpu.memref_slice %arg4[%add3A_304, %dma_start3A_305] : memref<32768x512xf32, #tpu.memory_space<hbm>> -> memref<64x512xf32, #tpu.memory_space<hbm>>
    %dma_start3A_307 = arith.constant 0 : i32
    %dma_start3A_308 = tpu.memref_slice %arg4[%add3A_304, %dma_start3A_307] : memref<32768x512xf32, #tpu.memory_space<hbm>> -> memref<64x512xf32, #tpu.memory_space<hbm>>
    tpu.enqueue_dma source(%arg6 : memref<64x512xf32, #tpu.memory_space<vmem>>) target(%dma_start3A_308 : memref<64x512xf32, #tpu.memory_space<hbm>>) target_semaphore(%arg12 : memref<!tpu.dma_semaphore, #tpu.memory_space<semaphore_mem>>)
    %dma_wait3A_309 = arith.constant 0 : i32
    %dma_wait3A_310 = tpu.memref_slice %arg4[%add3A_293, %dma_wait3A_309] : memref<32768x512xf32, #tpu.memory_space<hbm>> -> memref<64x512xf32, #tpu.memory_space<hbm>>
    %dma_wait3A_311 = arith.constant 0 : i32
    %dma_wait3A_312 = tpu.memref_slice %arg4[%add3A_293, %dma_wait3A_311] : memref<32768x512xf32, #tpu.memory_space<hbm>> -> memref<64x512xf32, #tpu.memory_space<hbm>>
    tpu.wait_dma2 semaphore(%arg14 : memref<!tpu.dma_semaphore, #tpu.memory_space<semaphore_mem>>) src(%arg8 : memref<64x512xf32, #tpu.memory_space<vmem>>) dst(%dma_wait3A_312 : memref<64x512xf32, #tpu.memory_space<hbm>>)
    %dma_wait3A_313 = arith.constant 0 : i32
    %dma_wait3A_314 = tpu.memref_slice %arg4[%add3A_304, %dma_wait3A_313] : memref<32768x512xf32, #tpu.memory_space<hbm>> -> memref<64x512xf32, #tpu.memory_space<hbm>>
    %dma_wait3A_315 = arith.constant 0 : i32
    %dma_wait3A_316 = tpu.memref_slice %arg4[%add3A_304, %dma_wait3A_315] : memref<32768x512xf32, #tpu.memory_space<hbm>> -> memref<64x512xf32, #tpu.memory_space<hbm>>
    tpu.wait_dma2 semaphore(%arg12 : memref<!tpu.dma_semaphore, #tpu.memory_space<semaphore_mem>>) src(%arg6 : memref<64x512xf32, #tpu.memory_space<vmem>>) dst(%dma_wait3A_316 : memref<64x512xf32, #tpu.memory_space<hbm>>)
    return
  }
}

</mosaic_0001>

<sc_bundles>
// kernel: kernel.3.cloned.1.call-start
scs
__scs_entry_jumppad:
0x0: {  	(pc) =	sbr.rel $0x88, $3  }
0x1: {  	(tag) =	ssettag $0x0;
	lr =	simm.s32 $0x1  }
0x2: {  	[smem:$0x3F9F] =	sst lr;
	_ =	strace $0xD0000000  }
0x3: {  	_ = 	snop  }
0x4: {  	_ = 	snop  }
0x5: {  	_ = 	snop  }
0x6: {  	_ = 	snop  }
0x7: {  	_ = 	snop  }
__scs_overlays_trampoline_lowered:
0x8: {  	[smem:$0x3FAE] =	sst s0  }
0x9: {  	[smem:$0x3FAF] =	sst s1  }
0xa: {  	[smem:$0x3FB0] =	sst s2  }
0xb: {  	[smem:$0x3FB1] =	sst s3  }
0xc: {  	[smem:$0x3FB2] =	sst s4  }
0xd: {  	[smem:$0x3FB3] =	sst s5  }
0xe: {  	[smem:$0x3FB4] =	sst s6  }
0xf: {  	[smem:$0x3FB5] =	sst s7  }
0x10: {  	[smem:$0x3FB6] =	sst s8  }
0x11: {  	[smem:$0x3FB7] =	sst s9;
	s0 =	simm.s32 @!p0 $0x0  }
0x12: {  	s1 =	sld [smem:$0x3F9D];
	s0 =	simm.s32 @p0 $0x1  }
0x13: {  	[smem:$0x3FB8] =	sst s0;
	s0 =	simm.s32 @!p1 $0x0  }
0x14: {  	s2 =	sld [smem:$0x3F9C];
	s0 =	simm.s32 @p1 $0x1  }
0x15: {  	[smem:$0x3FB9] =	sst s0;
	s0 =	simm.s32 @!p2 $0x0  }
0x16: {  	s3 =	sld [smem:$0x3FDB];
	s0 =	simm.s32 @p2 $0x1  }
0x17: {  	s4 =	simm.s32 $0x1BF5;
	[smem:$0x3FBB] =	sst s0  }
0x18: {  	s0 =	sld [smem:$0x3F9E];
	_ =	swait.ge [sflag:s4], $0x0  }
0x19: {  	s7 =	sld [smem:$0x3F9F]  }
0x1a: {  	s8 =	sadd.s32 $0xFFFFE003, lr  }
0x1b: {  	s9 =	sadd.s32 $0xFFFFFEF7, lr;
	s5 =	simm.s32 $0xFFFFFFFF;
	p2 =	slt.u32 s8, $0xFFFFF086  }
0x1c: {  	p1 =	slt.u32 s9, $0xF7A;
	s5 =	simm.s32 @!p2 $0x0  }
0x1d: {  	s5 =	simm.s32 @p1 $0x1;
	p0 =	seq.s32 s7, s2  }
0x1e: {  	s7 =	smul.u32 @!p0 $0xF7A, s2;
	p2 =	seq.s32 @!p0 s5, $0x0  }
0x1f: {  	s9 =	smul.u32 $0xF7A, s1;
	s8 =	simm.s32 @!p0 $0x1BF5;
	p2 =	por !p2, p0  }
0x20: {  	[sflag:s8] =	ssyncset.s32 @!p0 $0xFFFFF086;
	s6 =	sadd.s32 @!p0 s3, s7;
	s7 =	simm.s32 @!p0 $0x108  }
0x21: {  	s3 =	sadd.s32 s3, s9;
	s6 =	sadd.s32 @!p0 $0x88, s6;
	s7 =	simm.s32 @p2 $0x1082  }
0x22: {  	[simem:s7], [sflag:s8] =	dma.local @!p0 [hbm:s6], $0xF7A  }
0x23: {  	s9 =	sor.u32 $0xD0000000, s2;
	s6 =	simm.s32 $0x108;
	_ =	swait.ge @!p0 [sflag:s8], $0x0  }
0x24: {  	s3 =	sadd.s32 $0x88, s3;
	s6 =	simm.s32 @!p1 $0x1082;
	[sflag:s4] =	ssyncset.s32 $0xFFFFF086  }
0x25: {  	[simem:s6], [sflag:s4] =	dma.local [hbm:s3], $0xF7A  }
0x26: {  	[smem:$0x3F9F] =	sst s1;
	(tag) =	ssettag s2;
	_ =	strace s9  }
0x27: {  	s1 =	sld [smem:$0x3FAF]  }
0x28: {  	s2 =	sld [smem:$0x3FB0]  }
0x29: {  	s4 =	sld [smem:$0x3FB2]  }
0x2a: {  	p0 =	seq.s32 s5, $0x0;
	s5 =	sld [smem:$0x3FB3]  }
0x2b: {  	s6 =	sld [smem:$0x3FB4]  }
0x2c: {  	s7 =	sld [smem:$0x3FB5]  }
0x2d: {  	s3 =	simm.s32 $0x108;
	s8 =	sld [smem:$0x3FB6]  }
0x2e: {  	s3 =	simm.s32 @!p0 $0x1082;
	s9 =	sld [smem:$0x3FB7]  }
0x2f: {  	lr =	sadd.s32 s0, s3;
	s0 =	sld [smem:$0x3FAE]  }
0x30: {  	s3 =	sld [smem:$0x3FB1]  }
0x31: {  	[smem:$0x3FBA] =	sst s10  }
0x32: {  	s10 =	sld [smem:$0x3FB8];
	_ =	sdelay $0x3  }
0x33: {  	p0 =	seq.s32 s10, $0x1;
	s10 =	sld [smem:$0x3FBA];
	_ =	sdelay $0x3  }
0x34: {  	[smem:$0x3FBA] =	sst s10  }
0x35: {  	s10 =	sld [smem:$0x3FB9];
	_ =	sdelay $0x3  }
0x36: {  	p1 =	seq.s32 s10, $0x1;
	s10 =	sld [smem:$0x3FBA];
	_ =	sdelay $0x3  }
0x37: {  	[smem:$0x3FBA] =	sst s10  }
0x38: {  	s10 =	sld [smem:$0x3FBB]  }
0x39: {  	_ = 	snop;
	(pc) =	sbr.ind lr, $3  }
0x3a: {  	_ = 	snop  }
0x3b: {  	_ = 	snop  }
0x3c: {  	p2 =	seq.s32 s10, $0x1;
	s10 =	sld [smem:$0x3FBA]  }
0x3d: {  	_ =	shalt  }
0x3e: {  	_ =	shalt  }
0x3f: {  	_ =	shalt  }
0x40: {  	_ =	shalt  }
0x41: {  	_ =	shalt  }
0x42: {  	_ =	shalt  }
0x43: {  	_ =	shalt  }
0x44: {  	_ =	shalt  }
0x45: {  	_ =	shalt  }
0x46: {  	_ =	shalt  }
0x47: {  	_ =	shalt  }
0x48: {  	_ =	shalt  }
0x49: {  	_ =	shalt  }
0x4a: {  	_ =	shalt  }
0x4b: {  	_ =	shalt  }
0x4c: {  	_ =	shalt  }
0x4d: {  	_ =	shalt  }
0x4e: {  	_ =	shalt  }
0x4f: {  	_ =	shalt  }
0x50: {  	_ =	shalt  }
0x51: {  	_ =	shalt  }
0x52: {  	_ =	shalt  }
0x53: {  	_ =	shalt  }
0x54: {  	_ =	shalt  }
0x55: {  	_ =	shalt  }
0x56: {  	_ =	shalt  }
0x57: {  	_ =	shalt  }
0x58: {  	_ =	shalt  }
0x59: {  	_ =	shalt  }
0x5a: {  	_ =	shalt  }
0x5b: {  	_ =	shalt  }
0x5c: {  	_ =	shalt  }
0x5d: {  	_ =	shalt  }
0x5e: {  	_ =	shalt  }
0x5f: {  	_ =	shalt  }
0x60: {  	_ =	shalt  }
0x61: {  	_ =	shalt  }
0x62: {  	_ =	shalt  }
0x63: {  	_ =	shalt  }
0x64: {  	_ =	shalt  }
0x65: {  	_ =	shalt  }
0x66: {  	_ =	shalt  }
0x67: {  	_ =	shalt  }
0x68: {  	_ =	shalt  }
0x69: {  	_ =	shalt  }
0x6a: {  	_ =	shalt  }
0x6b: {  	_ =	shalt  }
0x6c: {  	_ =	shalt  }
0x6d: {  	_ =	shalt  }
0x6e: {  	_ =	shalt  }
0x6f: {  	_ =	shalt  }
0x70: {  	_ =	shalt  }
0x71: {  	_ =	shalt  }
0x72: {  	_ =	shalt  }
0x73: {  	_ =	shalt  }
0x74: {  	_ =	shalt  }
0x75: {  	_ =	shalt  }
0x76: {  	_ =	shalt  }
0x77: {  	_ =	shalt  }
0x78: {  	_ =	shalt  }
0x79: {  	_ =	shalt  }
0x7a: {  	_ =	shalt  }
0x7b: {  	_ =	shalt  }
0x7c: {  	_ =	shalt  }
0x7d: {  	_ =	shalt  }
0x7e: {  	_ =	shalt  }
0x7f: {  	_ =	shalt  }
0x80: {  	_ =	shalt  }
0x81: {  	_ =	shalt  }
0x82: {  	_ =	shalt  }
0x83: {  	_ =	shalt  }
0x84: {  	_ =	shalt  }
0x85: {  	_ =	shalt  }
0x86: {  	_ =	shalt  }
0x87: {  	_ =	shalt  }
.Lfunc_end0:
.L_simem_size_0:
called_computation_lowered:
.L_overlay_start_0:
0x88: {  	s2 =	sld [smem:$0x3FD9]  }
0x89: {  	s3 =	sld [smem:$0x3FFE];
	_ =	sdelay $0x1  }
0x8a: {  	s1 =	srdreg.scid  }
0x8b: {  	s0 =	sand.u32 $0x1, s1  }
0x8c: {  	s17 =	sshll.u32 s0, $0xA;
	s2 =	sadd.s32 s3, s2  }
0x8d: {  	s2 =	sadd.s32 s2, s17  }
0x8e: {  	[smem:$0x3FC6] =	sst s2  }
0x8f: {  	_ = 	snop  }
0x90: {  	s2 =	sld [smem:$0x3FC8]  }
0x91: {  	s18 =	sld [smem:$0x3FD0];
	(tm) =	ssettm $0x1  }
0x92: {  	s4 =	sld [smem:$0x3FFB];
	_ =	sdelay $0x3  }
0x93: {  	_ =	strace s4  }
0x94: {  	s4 =	sld [smem:$0x3FFC];
	_ =	sdelay $0x3  }
0x95: {  	_ =	strace s4  }
0x96: {  	s4 =	sld [smem:$0x3FFD];
	_ =	sdelay $0x3  }
0x97: {  	_ =	strace s4  }
0x98: {  	_ =	strace $0x8FFFFFFF  }
0x99: {  	s19 =	sld [smem:$0x3FDB];
	_ =	sdelay $0x1  }
0x9a: {  	s5 =	simm.s32 $_scs_section_size  }
0x9b: {  	s6 =	simm.s32 $_size__tile_overlayer_lowered;
	s7 =	simm.s32 $_tile_overlayer_lowered  }
0x9c: {  	s22 =	simm.s32 $0x1BFF;
	s21 =	sshll.u32 s7, $0x1;
	s4 =	sadd.s32 s5, s19  }
0x9d: {  	s8 =	simm.s32 $0x0;
	s20 =	sshll.u32 s6, $0x1;
	s6 =	sadd.s32 s21, s4  }
0x9e: {  	[timem:s8], [sflag:s22] =	dma.local [hbm:s6], s20  }
0x9f: {  	_ =	swait.ge [sflag:s22], s20  }
0xa0: {  	s5 =	ssub.s32 $0x0, s20;
	[sflag:s22] =	ssyncset.done $0x0  }
0xa1: {  	[sflag:s22] =	ssyncadd.s32 s5;
	_ =	sdelay $0x1  }
0xa2: {  	s23 =	simm.s32 $0x1B8B  }
0xa3: {  	_ =	swait.ge [sflag:s23], $0x1  }
0xa4: {  	[sflag:s23] =	ssyncset.done $0x0  }
0xa5: {  	s25 =	simm.s32 $0x1B8E;
	s24 =	sld [smem:$0x3FFE];
	[sflag:s23] =	ssyncadd.s32 $0xFFFFFFFF  }
0xa6: {  	s26 =	simm.s32 $execute0_lowered;
	[smem:$0x3FD2] =	sst s25  }
0xa7: {  	s6 =	sshll.u32 s26, $0x1;
	_ =	strace $0x80000046;
	[dreg:$0x1] =	wrdreg $0xFFFFFFFF  }
0xa8: {  	s28 =	simm.s32 $_size_execute0_lowered;
	s4 =	sadd.s32 s4, s6;
	[dreg:$0x0] =	wrdreg $0x0  }
0xa9: {  	s6 =	sshll.u32 s28, $0x1;
	[dreg:$0x2] =	wrdreg s4  }
0xaa: {  	[dreg:$0x3] =	wrdreg s6  }
0xab: {  	[dreg:$0x4] =	wrdreg $0xC0  }
0xac: {  	_ =	task [dreg:s8], $0x5FFFF  }
0xad: {  	[dreg:$0x1] =	wrdreg $0xFFFFFFFF  }
0xae: {  	[dreg:$0x0] =	wrdreg $0x60  }
0xaf: {  	[dreg:$0x2] =	wrdreg s24  }
0xb0: {  	[dreg:$0x3] =	wrdreg s2  }
0xb1: {  	[dreg:$0x4] =	wrdreg s18  }
0xb2: {  	[dreg:$0x5] =	wrdreg $0x9  }
0xb3: {  	_ =	task.clear_ibuf [dreg:s8], $0x6FFFF;
	_ =	strace $0x90000046  }
0xb4: {  	s29 =	simm.s32 $0x9;
	_ =	strace $0x80000048  }
0xb5: {  	_ =	swait.ge [sflag:s29], $0x1  }
0xb6: {  	[sflag:s29] =	ssyncadd.s32 $0xFFFFFFFF  }
0xb7: {  	_ =	strace $0x90000048  }
0xb8: {  	_ =	sfence  }
0xb9: {  	s30 =	sld [smem:$0x0];
	_ =	sdelay $0x2  }
0xba: {  	s31 =	sshll.u32 s1, $0xD;
	s1 =	sshrl.u32 s1, $0x2  }
0xbb: {  	s3 =	sand.u32 $0x4000, s31;
	s1 =	sadd.s32 s1, s30  }
0xbc: {  	s0 =	sor.u32 s3, s0;
	s1 =	sshll.u32 s1, $0x11  }
0xbd: {  	s0 =	sor.u32 s1, s0  }
0xbe: {  	s0 =	sadd.s32 $0x8F2B, s0  }
0xbf: {  	[sflag:s0] =	ssyncadd.remote.s32 $0x1  }
0xc0: {  	_ =	sfence.sel $0xFFFF  }
0xc1: {  	[dreg:$0x0] =	wrdreg $0xFFFFFFFF;
	(pc) =	sbr.abs _section_cstart, $3  }
0xc2: {  	[dreg:$0x1] =	wrdreg $0xFFFFFFFF  }
0xc3: {  	_ =	task.clear_ibuf [dreg:s8], $0x2FFFF;
	_ =	strace $0x9FFFFFFF  }
0xc4: {  	(tm) =	ssettm $0x7FFFFFFF  }
0xc5: {  	_ =	shalt  }
tec
execute0_lowered:
.L_overlay_start_1:
0x0: {  	(tag) =	ssettag $0x1  }
0x1: {  	s0 =	srdreg.scid  }
0x2: {  	s1 =	rddreg [dreg:$0x0];
	s3 =	stileid.u32;
	s0 =	sand.u32 $0x1, s0  }
0x3: {  	s2 =	rddreg [dreg:$0x1];
	s3 =	sshll.u32 s3, $0xB;
	s4 =	sshll.u32 s0, $0xA  }
0x4: {  	s5 =	rddreg [dreg:$0x2];
	s4 =	sor.u32 s4, s3  }
0x5: {  	s3 =	simm.s32 $0x0;
	s6 =	sshrl.u32 s4, $0x3;
	s4 =	sshll.u32 s4, $0x6  }
0x6: {  	[smem:$0x7FF] =	sst s3;
	s1 =	sadd.s32 s6, s1;
	s12 =	sadd.s32 s5, s4  }
0x7: {  	_ =	strace $0x80000047;
	s1 =	sadd.s32 $0x400, s1;
	[dreg:$0x14] =	wrdreg s12  }
0x8: {  	s13 =	sadd.s32 $0x1000, s12;
	[dreg:$0x4] =	wrdreg s1  }
0x9: {  	s14 =	sadd.s32 $0x2000, s12;
	[dreg:$0x5] =	wrdreg s13  }
0xa: {  	s15 =	sadd.s32 $0x3000, s12;
	[dreg:$0x6] =	wrdreg s14  }
0xb: {  	s16 =	sadd.s32 $0x4000, s12;
	[dreg:$0x7] =	wrdreg s15  }
0xc: {  	s17 =	sadd.s32 $0x5000, s12;
	[dreg:$0x8] =	wrdreg s16  }
0xd: {  	s18 =	sadd.s32 $0x6000, s12;
	[dreg:$0x9] =	wrdreg s17  }
0xe: {  	s19 =	sadd.s32 $0x7000, s12;
	[dreg:$0xa] =	wrdreg s18  }
0xf: {  	s31 =	simm.s32 $0x1;
	s20 =	sadd.s32 $0x8000, s12;
	[dreg:$0xb] =	wrdreg s19  }
0x10: {  	s30 =	simm.s32 $0x2;
	s21 =	sadd.s32 $0x9000, s12;
	[dreg:$0xc] =	wrdreg s20  }
0x11: {  	s0 =	ssub.s32 $0x2, s0;
	s22 =	sadd.s32 $0xA000, s12;
	[dreg:$0xd] =	wrdreg s21  }
0x12: {  	s25 =	sshrl.u32 s0, $0x1;
	s23 =	sadd.s32 $0xB000, s12;
	[dreg:$0xe] =	wrdreg s22  }
0x13: {  	s0 =	ssub.s32 s0, s25;
	s24 =	sadd.s32 $0xC000, s12;
	[dreg:$0xf] =	wrdreg s23  }
0x14: {  	s25 =	simm.s32 $0x6;
	s26 =	sadd.s32 $0xD000, s12;
	[dreg:$0x10] =	wrdreg s24  }
0x15: {  	v2 =	vlaneseq.u32;
	s5 =	sadd.s32 $0x100, s2;
	s28 =	sadd.s32 $0xE000, s12;
	[dreg:$0x11] =	wrdreg s26  }
0x16: {  	vm0 =	vmmov $0xffff;
	v1 =	vshrl.u32 v2, $0x3;
	s4 =	simm.s32 $0x3;
	s29 =	sadd.s32 $0xF000, s12;
	[dreg:$0x12] =	wrdreg s28  }
0x17: {  	v0 =	vand.u32 $0x7, v2;
	v2 =	vor.u32 $0x8, v2;
	v1 =	vmul.u32 $0x8, v1;
	[dreg:$0x13] =	wrdreg s29;
	s1 =	smax.u32 s0, $0x1;
	s0 =	simm.s32 $0x4  }
.LBB2_1:
0x18: {  	[dreg:$0x15] =	wrdreg s1  }
0x19: {  	s26 =	rddreg [dreg:$0x4];
	s8 =	simm.s32 $0x7  }
0x1a: {  	[tilespmem:s3], [sflag:$0x7] =	stream.linear.gather [hbm4b:s26+s3], $0x400, $0x38;
	[tilespmem:$0x18400] =	vst v63  }
0x1b: {  	_ =	swait.ge [sflag:s8], $0x400  }
0x1c: {  	[sflag:s8] =	ssyncset.done $0x0  }
0x1d: {  	[sflag:s8] =	ssyncadd.s32 $0xFFFFFC00  }
0x1e: {  	v3 =	vld [tilespmem:$0x0];
	_ =	sdelay $0x4  }
0x1f: {  	v4 =	vshll.u32 v3, $0x2  }
0x20: {  	v3 =	vand.u32 $0x7, v3;
	v4 =	vand.u32 $0xFFFFFFE0, v4  }
0x21: {  	v3 =	vor.u32 v3, v4  }
0x22: {  	v4 =	vperm.xlane v3, v0;
	_ =	sdelay $0x1  }
0x23: {  	v4 =	vadd.s32 v1, v4;
	_ =	sdelay $0x1  }
0x24: {  	v3 =	vperm.xlane v3, v2;
	_ =	sdelay $0x1  }
0x25: {  	s9 =	simm.s32 $0x400;
	v3 =	vadd.s32 v1, v3  }
0x26: {  	[tilespmem:s9], [sflag:$0x1] =	stream.indirect_vreg.gather [hbm4b:s2+s3], $0x80, v4, vm0, $0xb8;
	[tilespmem:$0x18400] =	vst v63  }
0x27: {  	s9 =	simm.s32 $0xC00  }
0x28: {  	[tilespmem:s9], [sflag:$0x1] =	stream.indirect_vreg.gather [hbm4b:s5+s3], $0x80, v4, vm0, $0xb8;
	[tilespmem:$0x18400] =	vst v63  }
0x29: {  	s10 =	simm.s32 $0x1400  }
0x2a: {  	[tilespmem:s10], [sflag:$0x1] =	stream.indirect_vreg.gather [hbm4b:s2+s3], $0x80, v3, vm0, $0xb8;
	[tilespmem:$0x18400] =	vst v63  }
0x2b: {  	s11 =	simm.s32 $0x1C00  }
0x2c: {  	[tilespmem:s11], [sflag:$0x1] =	stream.indirect_vreg.gather [hbm4b:s5+s3], $0x80, v3, vm0, $0xb8;
	[tilespmem:$0x18400] =	vst v63  }
0x2d: {  	v3 =	vld [tilespmem:$0x10];
	_ =	sdelay $0x4  }
0x2e: {  	v57 =	vshll.u32 v3, $0x2  }
0x2f: {  	v3 =	vand.u32 $0x7, v3;
	v4 =	vand.u32 $0xFFFFFFE0, v57  }
0x30: {  	v3 =	vor.u32 v3, v4  }
0x31: {  	v4 =	vperm.xlane v3, v0;
	_ =	sdelay $0x1  }
0x32: {  	v4 =	vadd.s32 v1, v4;
	_ =	sdelay $0x1  }
0x33: {  	v3 =	vperm.xlane v3, v2;
	_ =	sdelay $0x1  }
0x34: {  	s12 =	simm.s32 $0x2400;
	v3 =	vadd.s32 v1, v3  }
0x35: {  	[tilespmem:s12], [sflag:$0x1] =	stream.indirect_vreg.gather [hbm4b:s2+s3], $0x80, v4, vm0, $0xb8;
	[tilespmem:$0x18400] =	vst v63  }
0x36: {  	s13 =	simm.s32 $0x2C00  }
0x37: {  	[tilespmem:s13], [sflag:$0x1] =	stream.indirect_vreg.gather [hbm4b:s5+s3], $0x80, v4, vm0, $0xb8;
	[tilespmem:$0x18400] =	vst v63  }
0x38: {  	s14 =	simm.s32 $0x3400  }
0x39: {  	[tilespmem:s14], [sflag:$0x1] =	stream.indirect_vreg.gather [hbm4b:s2+s3], $0x80, v3, vm0, $0xb8;
	[tilespmem:$0x18400] =	vst v63  }
0x3a: {  	s15 =	simm.s32 $0x3C00  }
0x3b: {  	[tilespmem:s15], [sflag:$0x1] =	stream.indirect_vreg.gather [hbm4b:s5+s3], $0x80, v3, vm0, $0xb8;
	[tilespmem:$0x18400] =	vst v63  }
0x3c: {  	v3 =	vld [tilespmem:$0x20];
	_ =	sdelay $0x4  }
0x3d: {  	v58 =	vshll.u32 v3, $0x2  }
0x3e: {  	v3 =	vand.u32 $0x7, v3;
	v4 =	vand.u32 $0xFFFFFFE0, v58  }
0x3f: {  	v3 =	vor.u32 v3, v4  }
0x40: {  	v4 =	vperm.xlane v3, v0;
	_ =	sdelay $0x1  }
0x41: {  	v4 =	vadd.s32 v1, v4;
	_ =	sdelay $0x1  }
0x42: {  	v3 =	vperm.xlane v3, v2;
	_ =	sdelay $0x1  }
0x43: {  	s16 =	simm.s32 $0x4400;
	v3 =	vadd.s32 v1, v3  }
0x44: {  	[tilespmem:s16], [sflag:$0x1] =	stream.indirect_vreg.gather [hbm4b:s2+s3], $0x80, v4, vm0, $0xb8;
	[tilespmem:$0x18400] =	vst v63  }
0x45: {  	s17 =	simm.s32 $0x4C00  }
0x46: {  	[tilespmem:s17], [sflag:$0x1] =	stream.indirect_vreg.gather [hbm4b:s5+s3], $0x80, v4, vm0, $0xb8;
	[tilespmem:$0x18400] =	vst v63  }
0x47: {  	s18 =	simm.s32 $0x5400  }
0x48: {  	[tilespmem:s18], [sflag:$0x1] =	stream.indirect_vreg.gather [hbm4b:s2+s3], $0x80, v3, vm0, $0xb8;
	[tilespmem:$0x18400] =	vst v63  }
0x49: {  	s19 =	simm.s32 $0x5C00  }
0x4a: {  	[tilespmem:s19], [sflag:$0x1] =	stream.indirect_vreg.gather [hbm4b:s5+s3], $0x80, v3, vm0, $0xb8;
	[tilespmem:$0x18400] =	vst v63  }
0x4b: {  	v3 =	vld [tilespmem:$0x30];
	_ =	sdelay $0x4  }
0x4c: {  	v59 =	vshll.u32 v3, $0x2  }
0x4d: {  	v3 =	vand.u32 $0x7, v3;
	v4 =	vand.u32 $0xFFFFFFE0, v59  }
0x4e: {  	v3 =	vor.u32 v3, v4  }
0x4f: {  	v4 =	vperm.xlane v3, v0;
	_ =	sdelay $0x1  }
0x50: {  	v4 =	vadd.s32 v1, v4;
	_ =	sdelay $0x1  }
0x51: {  	v3 =	vperm.xlane v3, v2;
	_ =	sdelay $0x1  }
0x52: {  	s20 =	simm.s32 $0x6400;
	v3 =	vadd.s32 v1, v3  }
0x53: {  	[tilespmem:s20], [sflag:$0x1] =	stream.indirect_vreg.gather [hbm4b:s2+s3], $0x80, v4, vm0, $0xb8;
	[tilespmem:$0x18400] =	vst v63  }
0x54: {  	s21 =	simm.s32 $0x6C00  }
0x55: {  	[tilespmem:s21], [sflag:$0x1] =	stream.indirect_vreg.gather [hbm4b:s5+s3], $0x80, v4, vm0, $0xb8;
	[tilespmem:$0x18400] =	vst v63  }
0x56: {  	s22 =	simm.s32 $0x7400  }
0x57: {  	[tilespmem:s22], [sflag:$0x1] =	stream.indirect_vreg.gather [hbm4b:s2+s3], $0x80, v3, vm0, $0xb8;
	[tilespmem:$0x18400] =	vst v63  }
0x58: {  	s23 =	simm.s32 $0x7C00  }
0x59: {  	[tilespmem:s23], [sflag:$0x1] =	stream.indirect_vreg.gather [hbm4b:s5+s3], $0x80, v3, vm0, $0xb8;
	[tilespmem:$0x18400] =	vst v63  }
0x5a: {  	v3 =	vld [tilespmem:$0x40];
	_ =	sdelay $0x4  }
0x5b: {  	v60 =	vshll.u32 v3, $0x2  }
0x5c: {  	v3 =	vand.u32 $0x7, v3;
	v4 =	vand.u32 $0xFFFFFFE0, v60  }
0x5d: {  	v3 =	vor.u32 v3, v4  }
0x5e: {  	v4 =	vperm.xlane v3, v0;
	_ =	sdelay $0x1  }
0x5f: {  	v4 =	vadd.s32 v1, v4;
	_ =	sdelay $0x1  }
0x60: {  	v3 =	vperm.xlane v3, v2;
	_ =	sdelay $0x1  }
0x61: {  	s6 =	simm.s32 $0x8400;
	v3 =	vadd.s32 v1, v3  }
0x62: {  	[tilespmem:s6], [sflag:$0x2] =	stream.indirect_vreg.gather [hbm4b:s2+s3], $0x80, v4, vm0, $0xb8;
	[tilespmem:$0x18400] =	vst v63  }
0x63: {  	s24 =	simm.s32 $0x8C00  }
0x64: {  	[tilespmem:s24], [sflag:$0x2] =	stream.indirect_vreg.gather [hbm4b:s5+s3], $0x80, v4, vm0, $0xb8;
	[tilespmem:$0x18400] =	vst v63  }
0x65: {  	s26 =	simm.s32 $0x9400  }
0x66: {  	[tilespmem:s26], [sflag:$0x2] =	stream.indirect_vreg.gather [hbm4b:s2+s3], $0x80, v3, vm0, $0xb8;
	[tilespmem:$0x18400] =	vst v63  }
0x67: {  	s28 =	simm.s32 $0x9C00  }
0x68: {  	[tilespmem:s28], [sflag:$0x2] =	stream.indirect_vreg.gather [hbm4b:s5+s3], $0x80, v3, vm0, $0xb8;
	[tilespmem:$0x18400] =	vst v63  }
0x69: {  	v3 =	vld [tilespmem:$0x50];
	_ =	sdelay $0x4  }
0x6a: {  	v61 =	vshll.u32 v3, $0x2  }
0x6b: {  	v3 =	vand.u32 $0x7, v3;
	v4 =	vand.u32 $0xFFFFFFE0, v61  }
0x6c: {  	v3 =	vor.u32 v3, v4  }
0x6d: {  	v4 =	vperm.xlane v3, v0;
	_ =	sdelay $0x1  }
0x6e: {  	v4 =	vadd.s32 v1, v4;
	_ =	sdelay $0x1  }
0x6f: {  	v3 =	vperm.xlane v3, v2;
	_ =	sdelay $0x1  }
0x70: {  	s29 =	simm.s32 $0xA400;
	v3 =	vadd.s32 v1, v3  }
0x71: {  	[tilespmem:s29], [sflag:$0x2] =	stream.indirect_vreg.gather [hbm4b:s2+s3], $0x80, v4, vm0, $0xb8;
	[tilespmem:$0x18400] =	vst v63  }
0x72: {  	s6 =	simm.s32 $0xAC00  }
0x73: {  	[tilespmem:s6], [sflag:$0x2] =	stream.indirect_vreg.gather [hbm4b:s5+s3], $0x80, v4, vm0, $0xb8;
	[tilespmem:$0x18400] =	vst v63  }
0x74: {  	s7 =	simm.s32 $0xB400  }
0x75: {  	[tilespmem:s7], [sflag:$0x2] =	stream.indirect_vreg.gather [hbm4b:s2+s3], $0x80, v3, vm0, $0xb8;
	[tilespmem:$0x18400] =	vst v63  }
0x76: {  	s8 =	simm.s32 $0xBC00  }
0x77: {  	[tilespmem:s8], [sflag:$0x2] =	stream.indirect_vreg.gather [hbm4b:s5+s3], $0x80, v3, vm0, $0xb8;
	[tilespmem:$0x18400] =	vst v63  }
0x78: {  	v3 =	vld [tilespmem:$0x60];
	_ =	sdelay $0x4  }
0x79: {  	v62 =	vshll.u32 v3, $0x2  }
0x7a: {  	v3 =	vand.u32 $0x7, v3;
	v4 =	vand.u32 $0xFFFFFFE0, v62  }
0x7b: {  	v3 =	vor.u32 v3, v4  }
0x7c: {  	v4 =	vperm.xlane v3, v0;
	_ =	sdelay $0x1  }
0x7d: {  	v4 =	vadd.s32 v1, v4;
	_ =	sdelay $0x1  }
0x7e: {  	v3 =	vperm.xlane v3, v2;
	_ =	sdelay $0x1  }
0x7f: {  	s9 =	simm.s32 $0xC400;
	v3 =	vadd.s32 v1, v3  }
0x80: {  	[tilespmem:s9], [sflag:$0x2] =	stream.indirect_vreg.gather [hbm4b:s2+s3], $0x80, v4, vm0, $0xb8;
	[tilespmem:$0x18400] =	vst v63  }
0x81: {  	s11 =	simm.s32 $0xCC00  }
0x82: {  	[tilespmem:s11], [sflag:$0x2] =	stream.indirect_vreg.gather [hbm4b:s5+s3], $0x80, v4, vm0, $0xb8;
	[tilespmem:$0x18400] =	vst v63  }
0x83: {  	s13 =	simm.s32 $0xD400  }
0x84: {  	[tilespmem:s13], [sflag:$0x2] =	stream.indirect_vreg.gather [hbm4b:s2+s3], $0x80, v3, vm0, $0xb8;
	[tilespmem:$0x18400] =	vst v63  }
0x85: {  	s14 =	simm.s32 $0xDC00  }
0x86: {  	[tilespmem:s14], [sflag:$0x2] =	stream.indirect_vreg.gather [hbm4b:s5+s3], $0x80, v3, vm0, $0xb8;
	[tilespmem:$0x18400] =	vst v63  }
0x87: {  	v3 =	vld [tilespmem:$0x70];
	_ =	sdelay $0x4  }
0x88: {  	v63 =	vshll.u32 v3, $0x2  }
0x89: {  	v3 =	vand.u32 $0x7, v3;
	v4 =	vand.u32 $0xFFFFFFE0, v63  }
0x8a: {  	v3 =	vor.u32 v3, v4  }
0x8b: {  	v4 =	vperm.xlane v3, v0;
	_ =	sdelay $0x1  }
0x8c: {  	v4 =	vadd.s32 v1, v4;
	_ =	sdelay $0x1  }
0x8d: {  	v3 =	vperm.xlane v3, v2;
	_ =	sdelay $0x1  }
0x8e: {  	s16 =	simm.s32 $0xE400;
	v3 =	vadd.s32 v1, v3  }
0x8f: {  	[tilespmem:s16], [sflag:$0x2] =	stream.indirect_vreg.gather [hbm4b:s2+s3], $0x80, v4, vm0, $0xb8;
	[tilespmem:$0x18400] =	vst v63  }
0x90: {  	s17 =	simm.s32 $0xEC00  }
0x91: {  	[tilespmem:s17], [sflag:$0x2] =	stream.indirect_vreg.gather [hbm4b:s5+s3], $0x80, v4, vm0, $0xb8;
	[tilespmem:$0x18400] =	vst v63  }
0x92: {  	s21 =	simm.s32 $0xF400  }
0x93: {  	[tilespmem:s21], [sflag:$0x2] =	stream.indirect_vreg.gather [hbm4b:s2+s3], $0x80, v3, vm0, $0xb8;
	[tilespmem:$0x18400] =	vst v63  }
0x94: {  	s22 =	simm.s32 $0xFC00  }
0x95: {  	[tilespmem:s22], [sflag:$0x2] =	stream.indirect_vreg.gather [hbm4b:s5+s3], $0x80, v3, vm0, $0xb8;
	[tilespmem:$0x18400] =	vst v63  }
0x96: {  	_ =	swait.ge [sflag:s31], $0x8000  }
0x97: {  	[sflag:s31] =	ssyncset.done $0x0  }
0x98: {  	[sflag:s31] =	ssyncadd.s32 $0xFFFF8000  }
0x99: {  	v3 =	vld [tilespmem:$0x80];
	_ =	sdelay $0x4  }
0x9a: {  	v8 =	vshll.u32 v3, $0x2  }
0x9b: {  	v3 =	vand.u32 $0x7, v3;
	v4 =	vand.u32 $0xFFFFFFE0, v8  }
0x9c: {  	v3 =	vor.u32 v3, v4  }
0x9d: {  	v4 =	vperm.xlane v3, v0;
	_ =	sdelay $0x1  }
0x9e: {  	v4 =	vadd.s32 v1, v4;
	_ =	sdelay $0x1  }
0x9f: {  	v3 =	vperm.xlane v3, v2;
	_ =	sdelay $0x1  }
0xa0: {  	s23 =	simm.s32 $0x10400;
	v3 =	vadd.s32 v1, v3  }
0xa1: {  	[tilespmem:s23], [sflag:$0x3] =	stream.indirect_vreg.gather [hbm4b:s2+s3], $0x80, v4, vm0, $0xb8;
	[tilespmem:$0x18400] =	vst v63  }
0xa2: {  	s26 =	simm.s32 $0x10C00  }
0xa3: {  	[tilespmem:s26], [sflag:$0x3] =	stream.indirect_vreg.gather [hbm4b:s5+s3], $0x80, v4, vm0, $0xb8;
	[tilespmem:$0x18400] =	vst v63  }
0xa4: {  	s1 =	simm.s32 $0x11400  }
0xa5: {  	[tilespmem:s1], [sflag:$0x3] =	stream.indirect_vreg.gather [hbm4b:s2+s3], $0x80, v3, vm0, $0xb8;
	[tilespmem:$0x18400] =	vst v63  }
0xa6: {  	s6 =	simm.s32 $0x11C00  }
0xa7: {  	[tilespmem:s6], [sflag:$0x3] =	stream.indirect_vreg.gather [hbm4b:s5+s3], $0x80, v3, vm0, $0xb8;
	[tilespmem:$0x18400] =	vst v63  }
0xa8: {  	v3 =	vld [tilespmem:$0x90];
	_ =	sdelay $0x4  }
0xa9: {  	v9 =	vshll.u32 v3, $0x2  }
0xaa: {  	v3 =	vand.u32 $0x7, v3;
	v4 =	vand.u32 $0xFFFFFFE0, v9  }
0xab: {  	v3 =	vor.u32 v3, v4  }
0xac: {  	v4 =	vperm.xlane v3, v0;
	_ =	sdelay $0x1  }
0xad: {  	v4 =	vadd.s32 v1, v4;
	_ =	sdelay $0x1  }
0xae: {  	v3 =	vperm.xlane v3, v2;
	_ =	sdelay $0x1  }
0xaf: {  	s7 =	simm.s32 $0x12400;
	v3 =	vadd.s32 v1, v3  }
0xb0: {  	[tilespmem:s7], [sflag:$0x3] =	stream.indirect_vreg.gather [hbm4b:s2+s3], $0x80, v4, vm0, $0xb8;
	[tilespmem:$0x18400] =	vst v63  }
0xb1: {  	s11 =	simm.s32 $0x12C00  }
0xb2: {  	[tilespmem:s11], [sflag:$0x3] =	stream.indirect_vreg.gather [hbm4b:s5+s3], $0x80, v4, vm0, $0xb8;
	[tilespmem:$0x18400] =	vst v63  }
0xb3: {  	s13 =	simm.s32 $0x13400  }
0xb4: {  	[tilespmem:s13], [sflag:$0x3] =	stream.indirect_vreg.gather [hbm4b:s2+s3], $0x80, v3, vm0, $0xb8;
	[tilespmem:$0x18400] =	vst v63  }
0xb5: {  	s14 =	simm.s32 $0x13C00  }
0xb6: {  	[tilespmem:s14], [sflag:$0x3] =	stream.indirect_vreg.gather [hbm4b:s5+s3], $0x80, v3, vm0, $0xb8;
	[tilespmem:$0x18400] =	vst v63  }
0xb7: {  	v3 =	vld [tilespmem:$0xA0];
	_ =	sdelay $0x4  }
0xb8: {  	v10 =	vshll.u32 v3, $0x2  }
0xb9: {  	v3 =	vand.u32 $0x7, v3;
	v4 =	vand.u32 $0xFFFFFFE0, v10  }
0xba: {  	v3 =	vor.u32 v3, v4  }
0xbb: {  	v4 =	vperm.xlane v3, v0;
	_ =	sdelay $0x1  }
0xbc: {  	v4 =	vadd.s32 v1, v4;
	_ =	sdelay $0x1  }
0xbd: {  	v3 =	vperm.xlane v3, v2;
	_ =	sdelay $0x1  }
0xbe: {  	s16 =	simm.s32 $0x14400;
	v3 =	vadd.s32 v1, v3  }
0xbf: {  	[tilespmem:s16], [sflag:$0x3] =	stream.indirect_vreg.gather [hbm4b:s2+s3], $0x80, v4, vm0, $0xb8;
	[tilespmem:$0x18400] =	vst v63  }
0xc0: {  	s17 =	simm.s32 $0x14C00  }
0xc1: {  	[tilespmem:s17], [sflag:$0x3] =	stream.indirect_vreg.gather [hbm4b:s5+s3], $0x80, v4, vm0, $0xb8;
	[tilespmem:$0x18400] =	vst v63  }
0xc2: {  	s21 =	simm.s32 $0x15400  }
0xc3: {  	[tilespmem:s21], [sflag:$0x3] =	stream.indirect_vreg.gather [hbm4b:s2+s3], $0x80, v3, vm0, $0xb8;
	[tilespmem:$0x18400] =	vst v63  }
0xc4: {  	s22 =	simm.s32 $0x15C00  }
0xc5: {  	[tilespmem:s22], [sflag:$0x3] =	stream.indirect_vreg.gather [hbm4b:s5+s3], $0x80, v3, vm0, $0xb8;
	[tilespmem:$0x18400] =	vst v63  }
0xc6: {  	v3 =	vld [tilespmem:$0xB0];
	_ =	sdelay $0x4  }
0xc7: {  	v11 =	vshll.u32 v3, $0x2  }
0xc8: {  	v3 =	vand.u32 $0x7, v3;
	v4 =	vand.u32 $0xFFFFFFE0, v11  }
0xc9: {  	v3 =	vor.u32 v3, v4  }
0xca: {  	v4 =	vperm.xlane v3, v0;
	_ =	sdelay $0x1  }
0xcb: {  	v4 =	vadd.s32 v1, v4;
	_ =	sdelay $0x1  }
0xcc: {  	v3 =	vperm.xlane v3, v2;
	_ =	sdelay $0x1  }
0xcd: {  	s23 =	simm.s32 $0x16400;
	v3 =	vadd.s32 v1, v3  }
0xce: {  	[tilespmem:s23], [sflag:$0x3] =	stream.indirect_vreg.gather [hbm4b:s2+s3], $0x80, v4, vm0, $0xb8;
	[tilespmem:$0x18400] =	vst v63  }
0xcf: {  	s26 =	simm.s32 $0x16C00  }
0xd0: {  	[tilespmem:s26], [sflag:$0x3] =	stream.indirect_vreg.gather [hbm4b:s5+s3], $0x80, v4, vm0, $0xb8;
	[tilespmem:$0x18400] =	vst v63  }
0xd1: {  	s1 =	simm.s32 $0x17400  }
0xd2: {  	[tilespmem:s1], [sflag:$0x3] =	stream.indirect_vreg.gather [hbm4b:s2+s3], $0x80, v3, vm0, $0xb8;
	[tilespmem:$0x18400] =	vst v63  }
0xd3: {  	s11 =	simm.s32 $0x17C00  }
0xd4: {  	[tilespmem:s11], [sflag:$0x3] =	stream.indirect_vreg.gather [hbm4b:s5+s3], $0x80, v3, vm0, $0xb8;
	[tilespmem:$0x18400] =	vst v63  }
0xd5: {  	s6 =	rddreg [dreg:$0x14];
	s7 =	simm.s32 $0x400  }
0xd6: {  	[hbm4b:s6+s3] =	stream.linear.scatter [tilespmem:s7], [sflag:$0x4], $0x8000, $0x38;
	[tilespmem:$0x18400] =	vst v63  }
0xd7: {  	_ =	swait.ge [sflag:s30], $0x8000  }
0xd8: {  	[sflag:s30] =	ssyncset.done $0x0  }
0xd9: {  	[sflag:s30] =	ssyncadd.s32 $0xFFFF8000  }
0xda: {  	_ =	swait.ge [sflag:s0], $0x8000  }
0xdb: {  	[sflag:s0] =	ssyncset.done $0x0  }
0xdc: {  	[sflag:s0] =	ssyncadd.s32 $0xFFFF8000  }
0xdd: {  	v3 =	vld [tilespmem:$0xC0];
	_ =	sdelay $0x4  }
0xde: {  	v12 =	vshll.u32 v3, $0x2  }
0xdf: {  	v3 =	vand.u32 $0x7, v3;
	v4 =	vand.u32 $0xFFFFFFE0, v12  }
0xe0: {  	v3 =	vor.u32 v3, v4  }
0xe1: {  	v4 =	vperm.xlane v3, v0;
	_ =	sdelay $0x1  }
0xe2: {  	v4 =	vadd.s32 v1, v4;
	_ =	sdelay $0x1  }
0xe3: {  	v3 =	vperm.xlane v3, v2;
	_ =	sdelay $0x1  }
0xe4: {  	v3 =	vadd.s32 v1, v3  }
0xe5: {  	[tilespmem:s7], [sflag:$0x1] =	stream.indirect_vreg.gather [hbm4b:s2+s3], $0x80, v4, vm0, $0xb8;
	[tilespmem:$0x18400] =	vst v63  }
0xe6: {  	s22 =	simm.s32 $0xC00  }
0xe7: {  	[tilespmem:s22], [sflag:$0x1] =	stream.indirect_vreg.gather [hbm4b:s5+s3], $0x80, v4, vm0, $0xb8;
	[tilespmem:$0x18400] =	vst v63  }
0xe8: {  	s23 =	simm.s32 $0x1400  }
0xe9: {  	[tilespmem:s23], [sflag:$0x1] =	stream.indirect_vreg.gather [hbm4b:s2+s3], $0x80, v3, vm0, $0xb8;
	[tilespmem:$0x18400] =	vst v63  }
0xea: {  	s10 =	simm.s32 $0x1C00  }
0xeb: {  	[tilespmem:s10], [sflag:$0x1] =	stream.indirect_vreg.gather [hbm4b:s5+s3], $0x80, v3, vm0, $0xb8;
	[tilespmem:$0x18400] =	vst v63  }
0xec: {  	v3 =	vld [tilespmem:$0xD0];
	_ =	sdelay $0x4  }
0xed: {  	v13 =	vshll.u32 v3, $0x2  }
0xee: {  	v3 =	vand.u32 $0x7, v3;
	v4 =	vand.u32 $0xFFFFFFE0, v13  }
0xef: {  	v3 =	vor.u32 v3, v4  }
0xf0: {  	v4 =	vperm.xlane v3, v0;
	_ =	sdelay $0x1  }
0xf1: {  	v4 =	vadd.s32 v1, v4;
	_ =	sdelay $0x1  }
0xf2: {  	v3 =	vperm.xlane v3, v2;
	_ =	sdelay $0x1  }
0xf3: {  	s21 =	simm.s32 $0x2400;
	v3 =	vadd.s32 v1, v3  }
0xf4: {  	[tilespmem:s21], [sflag:$0x1] =	stream.indirect_vreg.gather [hbm4b:s2+s3], $0x80, v4, vm0, $0xb8;
	[tilespmem:$0x18400] =	vst v63  }
0xf5: {  	s10 =	simm.s32 $0x2C00  }
0xf6: {  	[tilespmem:s10], [sflag:$0x1] =	stream.indirect_vreg.gather [hbm4b:s5+s3], $0x80, v4, vm0, $0xb8;
	[tilespmem:$0x18400] =	vst v63  }
0xf7: {  	s11 =	simm.s32 $0x3400  }
0xf8: {  	[tilespmem:s11], [sflag:$0x1] =	stream.indirect_vreg.gather [hbm4b:s2+s3], $0x80, v3, vm0, $0xb8;
	[tilespmem:$0x18400] =	vst v63  }
0xf9: {  	s12 =	simm.s32 $0x3C00  }
0xfa: {  	[tilespmem:s12], [sflag:$0x1] =	stream.indirect_vreg.gather [hbm4b:s5+s3], $0x80, v3, vm0, $0xb8;
	[tilespmem:$0x18400] =	vst v63  }
0xfb: {  	v3 =	vld [tilespmem:$0xE0];
	_ =	sdelay $0x4  }
0xfc: {  	v14 =	vshll.u32 v3, $0x2  }
0xfd: {  	v3 =	vand.u32 $0x7, v3;
	v4 =	vand.u32 $0xFFFFFFE0, v14  }
0xfe: {  	v3 =	vor.u32 v3, v4  }
0xff: {  	v4 =	vperm.xlane v3, v0;
	_ =	sdelay $0x1  }
0x100: {  	v4 =	vadd.s32 v1, v4;
	_ =	sdelay $0x1  }
0x101: {  	v3 =	vperm.xlane v3, v2;
	_ =	sdelay $0x1  }
0x102: {  	s12 =	simm.s32 $0x4400;
	v3 =	vadd.s32 v1, v3  }
0x103: {  	[tilespmem:s12], [sflag:$0x1] =	stream.indirect_vreg.gather [hbm4b:s2+s3], $0x80, v4, vm0, $0xb8;
	[tilespmem:$0x18400] =	vst v63  }
0x104: {  	s13 =	simm.s32 $0x4C00  }
0x105: {  	[tilespmem:s13], [sflag:$0x1] =	stream.indirect_vreg.gather [hbm4b:s5+s3], $0x80, v4, vm0, $0xb8;
	[tilespmem:$0x18400] =	vst v63  }
0x106: {  	s14 =	simm.s32 $0x5400  }
0x107: {  	[tilespmem:s14], [sflag:$0x1] =	stream.indirect_vreg.gather [hbm4b:s2+s3], $0x80, v3, vm0, $0xb8;
	[tilespmem:$0x18400] =	vst v63  }
0x108: {  	s15 =	simm.s32 $0x5C00  }
0x109: {  	[tilespmem:s15], [sflag:$0x1] =	stream.indirect_vreg.gather [hbm4b:s5+s3], $0x80, v3, vm0, $0xb8;
	[tilespmem:$0x18400] =	vst v63  }
0x10a: {  	v3 =	vld [tilespmem:$0xF0];
	_ =	sdelay $0x4  }
0x10b: {  	v15 =	vshll.u32 v3, $0x2  }
0x10c: {  	v3 =	vand.u32 $0x7, v3;
	v4 =	vand.u32 $0xFFFFFFE0, v15  }
0x10d: {  	v3 =	vor.u32 v3, v4  }
0x10e: {  	v4 =	vperm.xlane v3, v0;
	_ =	sdelay $0x1  }
0x10f: {  	v4 =	vadd.s32 v1, v4;
	_ =	sdelay $0x1  }
0x110: {  	v3 =	vperm.xlane v3, v2;
	_ =	sdelay $0x1  }
0x111: {  	s15 =	simm.s32 $0x6400;
	v3 =	vadd.s32 v1, v3  }
0x112: {  	[tilespmem:s15], [sflag:$0x1] =	stream.indirect_vreg.gather [hbm4b:s2+s3], $0x80, v4, vm0, $0xb8;
	[tilespmem:$0x18400] =	vst v63  }
0x113: {  	s16 =	simm.s32 $0x6C00  }
0x114: {  	[tilespmem:s16], [sflag:$0x1] =	stream.indirect_vreg.gather [hbm4b:s5+s3], $0x80, v4, vm0, $0xb8;
	[tilespmem:$0x18400] =	vst v63  }
0x115: {  	s17 =	simm.s32 $0x7400  }
0x116: {  	[tilespmem:s17], [sflag:$0x1] =	stream.indirect_vreg.gather [hbm4b:s2+s3], $0x80, v3, vm0, $0xb8;
	[tilespmem:$0x18400] =	vst v63  }
0x117: {  	s18 =	simm.s32 $0x7C00  }
0x118: {  	[tilespmem:s18], [sflag:$0x1] =	stream.indirect_vreg.gather [hbm4b:s5+s3], $0x80, v3, vm0, $0xb8;
	[tilespmem:$0x18400] =	vst v63  }
0x119: {  	s9 =	rddreg [dreg:$0x5];
	s18 =	simm.s32 $0x8400  }
0x11a: {  	[hbm4b:s9+s3] =	stream.linear.scatter [tilespmem:s18], [sflag:$0x5], $0x8000, $0x38;
	[tilespmem:$0x18400] =	vst v63  }
0x11b: {  	_ =	swait.ge [sflag:s4], $0x8000  }
0x11c: {  	[sflag:s4] =	ssyncset.done $0x0  }
0x11d: {  	s6 =	simm.s32 $0x5;
	[sflag:s4] =	ssyncadd.s32 $0xFFFF8000  }
0x11e: {  	_ =	swait.ge [sflag:s6], $0x8000  }
0x11f: {  	[sflag:s6] =	ssyncset.done $0x0  }
0x120: {  	[sflag:s6] =	ssyncadd.s32 $0xFFFF8000  }
0x121: {  	v3 =	vld [tilespmem:$0x100];
	_ =	sdelay $0x4  }
0x122: {  	v16 =	vshll.u32 v3, $0x2  }
0x123: {  	v3 =	vand.u32 $0x7, v3;
	v4 =	vand.u32 $0xFFFFFFE0, v16  }
0x124: {  	v3 =	vor.u32 v3, v4  }
0x125: {  	v4 =	vperm.xlane v3, v0;
	_ =	sdelay $0x1  }
0x126: {  	v4 =	vadd.s32 v1, v4;
	_ =	sdelay $0x1  }
0x127: {  	v3 =	vperm.xlane v3, v2;
	_ =	sdelay $0x1  }
0x128: {  	v3 =	vadd.s32 v1, v3  }
0x129: {  	[tilespmem:s18], [sflag:$0x2] =	stream.indirect_vreg.gather [hbm4b:s2+s3], $0x80, v4, vm0, $0xb8;
	[tilespmem:$0x18400] =	vst v63  }
0x12a: {  	s20 =	simm.s32 $0x8C00  }
0x12b: {  	[tilespmem:s20], [sflag:$0x2] =	stream.indirect_vreg.gather [hbm4b:s5+s3], $0x80, v4, vm0, $0xb8;
	[tilespmem:$0x18400] =	vst v63  }
0x12c: {  	s24 =	simm.s32 $0x9400  }
0x12d: {  	[tilespmem:s24], [sflag:$0x2] =	stream.indirect_vreg.gather [hbm4b:s2+s3], $0x80, v3, vm0, $0xb8;
	[tilespmem:$0x18400] =	vst v63  }
0x12e: {  	s7 =	simm.s32 $0x9C00  }
0x12f: {  	[tilespmem:s7], [sflag:$0x2] =	stream.indirect_vreg.gather [hbm4b:s5+s3], $0x80, v3, vm0, $0xb8;
	[tilespmem:$0x18400] =	vst v63  }
0x130: {  	v3 =	vld [tilespmem:$0x110];
	_ =	sdelay $0x4  }
0x131: {  	v17 =	vshll.u32 v3, $0x2  }
0x132: {  	v3 =	vand.u32 $0x7, v3;
	v4 =	vand.u32 $0xFFFFFFE0, v17  }
0x133: {  	v3 =	vor.u32 v3, v4  }
0x134: {  	v4 =	vperm.xlane v3, v0;
	_ =	sdelay $0x1  }
0x135: {  	v4 =	vadd.s32 v1, v4;
	_ =	sdelay $0x1  }
0x136: {  	v3 =	vperm.xlane v3, v2;
	_ =	sdelay $0x1  }
0x137: {  	s28 =	simm.s32 $0xA400;
	v3 =	vadd.s32 v1, v3  }
0x138: {  	[tilespmem:s28], [sflag:$0x2] =	stream.indirect_vreg.gather [hbm4b:s2+s3], $0x80, v4, vm0, $0xb8;
	[tilespmem:$0x18400] =	vst v63  }
0x139: {  	s29 =	simm.s32 $0xAC00  }
0x13a: {  	[tilespmem:s29], [sflag:$0x2] =	stream.indirect_vreg.gather [hbm4b:s5+s3], $0x80, v4, vm0, $0xb8;
	[tilespmem:$0x18400] =	vst v63  }
0x13b: {  	s19 =	simm.s32 $0xB400  }
0x13c: {  	[tilespmem:s19], [sflag:$0x2] =	stream.indirect_vreg.gather [hbm4b:s2+s3], $0x80, v3, vm0, $0xb8;
	[tilespmem:$0x18400] =	vst v63  }
0x13d: {  	s20 =	simm.s32 $0xBC00  }
0x13e: {  	[tilespmem:s20], [sflag:$0x2] =	stream.indirect_vreg.gather [hbm4b:s5+s3], $0x80, v3, vm0, $0xb8;
	[tilespmem:$0x18400] =	vst v63  }
0x13f: {  	v3 =	vld [tilespmem:$0x120];
	_ =	sdelay $0x4  }
0x140: {  	v18 =	vshll.u32 v3, $0x2  }
0x141: {  	v3 =	vand.u32 $0x7, v3;
	v4 =	vand.u32 $0xFFFFFFE0, v18  }
0x142: {  	v3 =	vor.u32 v3, v4  }
0x143: {  	v4 =	vperm.xlane v3, v0;
	_ =	sdelay $0x1  }
0x144: {  	v4 =	vadd.s32 v1, v4;
	_ =	sdelay $0x1  }
0x145: {  	v3 =	vperm.xlane v3, v2;
	_ =	sdelay $0x1  }
0x146: {  	s8 =	simm.s32 $0xC400;
	v3 =	vadd.s32 v1, v3  }
0x147: {  	[tilespmem:s8], [sflag:$0x2] =	stream.indirect_vreg.gather [hbm4b:s2+s3], $0x80, v4, vm0, $0xb8;
	[tilespmem:$0x18400] =	vst v63  }
0x148: {  	s24 =	simm.s32 $0xCC00  }
0x149: {  	[tilespmem:s24], [sflag:$0x2] =	stream.indirect_vreg.gather [hbm4b:s5+s3], $0x80, v4, vm0, $0xb8;
	[tilespmem:$0x18400] =	vst v63  }
0x14a: {  	s26 =	simm.s32 $0xD400  }
0x14b: {  	[tilespmem:s26], [sflag:$0x2] =	stream.indirect_vreg.gather [hbm4b:s2+s3], $0x80, v3, vm0, $0xb8;
	[tilespmem:$0x18400] =	vst v63  }
0x14c: {  	s28 =	simm.s32 $0xDC00  }
0x14d: {  	[tilespmem:s28], [sflag:$0x2] =	stream.indirect_vreg.gather [hbm4b:s5+s3], $0x80, v3, vm0, $0xb8;
	[tilespmem:$0x18400] =	vst v63  }
0x14e: {  	v3 =	vld [tilespmem:$0x130];
	_ =	sdelay $0x4  }
0x14f: {  	v19 =	vshll.u32 v3, $0x2  }
0x150: {  	v3 =	vand.u32 $0x7, v3;
	v4 =	vand.u32 $0xFFFFFFE0, v19  }
0x151: {  	v3 =	vor.u32 v3, v4  }
0x152: {  	v4 =	vperm.xlane v3, v0;
	_ =	sdelay $0x1  }
0x153: {  	v4 =	vadd.s32 v1, v4;
	_ =	sdelay $0x1  }
0x154: {  	v3 =	vperm.xlane v3, v2;
	_ =	sdelay $0x1  }
0x155: {  	s29 =	simm.s32 $0xE400;
	v3 =	vadd.s32 v1, v3  }
0x156: {  	[tilespmem:s29], [sflag:$0x2] =	stream.indirect_vreg.gather [hbm4b:s2+s3], $0x80, v4, vm0, $0xb8;
	[tilespmem:$0x18400] =	vst v63  }
0x157: {  	s8 =	simm.s32 $0xEC00  }
0x158: {  	[tilespmem:s8], [sflag:$0x2] =	stream.indirect_vreg.gather [hbm4b:s5+s3], $0x80, v4, vm0, $0xb8;
	[tilespmem:$0x18400] =	vst v63  }
0x159: {  	s9 =	simm.s32 $0xF400  }
0x15a: {  	[tilespmem:s9], [sflag:$0x2] =	stream.indirect_vreg.gather [hbm4b:s2+s3], $0x80, v3, vm0, $0xb8;
	[tilespmem:$0x18400] =	vst v63  }
0x15b: {  	s19 =	simm.s32 $0xFC00  }
0x15c: {  	[tilespmem:s19], [sflag:$0x2] =	stream.indirect_vreg.gather [hbm4b:s5+s3], $0x80, v3, vm0, $0xb8;
	[tilespmem:$0x18400] =	vst v63  }
0x15d: {  	s18 =	rddreg [dreg:$0x6];
	s20 =	simm.s32 $0x10400  }
0x15e: {  	[hbm4b:s18+s3] =	stream.linear.scatter [tilespmem:s20], [sflag:$0x6], $0x8000, $0x38;
	[tilespmem:$0x18400] =	vst v63  }
0x15f: {  	_ =	swait.ge [sflag:s31], $0x8000  }
0x160: {  	[sflag:s31] =	ssyncset.done $0x0  }
0x161: {  	[sflag:s31] =	ssyncadd.s32 $0xFFFF8000  }
0x162: {  	_ =	swait.ge [sflag:s25], $0x8000  }
0x163: {  	[sflag:s25] =	ssyncset.done $0x0  }
0x164: {  	[sflag:s25] =	ssyncadd.s32 $0xFFFF8000  }
0x165: {  	v3 =	vld [tilespmem:$0x140];
	_ =	sdelay $0x4  }
0x166: {  	v20 =	vshll.u32 v3, $0x2  }
0x167: {  	v3 =	vand.u32 $0x7, v3;
	v4 =	vand.u32 $0xFFFFFFE0, v20  }
0x168: {  	v3 =	vor.u32 v3, v4  }
0x169: {  	v4 =	vperm.xlane v3, v0;
	_ =	sdelay $0x1  }
0x16a: {  	v4 =	vadd.s32 v1, v4;
	_ =	sdelay $0x1  }
0x16b: {  	v3 =	vperm.xlane v3, v2;
	_ =	sdelay $0x1  }
0x16c: {  	v3 =	vadd.s32 v1, v3  }
0x16d: {  	[tilespmem:s20], [sflag:$0x3] =	stream.indirect_vreg.gather [hbm4b:s2+s3], $0x80, v4, vm0, $0xb8;
	[tilespmem:$0x18400] =	vst v63  }
0x16e: {  	s29 =	simm.s32 $0x10C00  }
0x16f: {  	[tilespmem:s29], [sflag:$0x3] =	stream.indirect_vreg.gather [hbm4b:s5+s3], $0x80, v4, vm0, $0xb8;
	[tilespmem:$0x18400] =	vst v63  }
0x170: {  	s18 =	simm.s32 $0x11400  }
0x171: {  	[tilespmem:s18], [sflag:$0x3] =	stream.indirect_vreg.gather [hbm4b:s2+s3], $0x80, v3, vm0, $0xb8;
	[tilespmem:$0x18400] =	vst v63  }
0x172: {  	s24 =	simm.s32 $0x11C00  }
0x173: {  	[tilespmem:s24], [sflag:$0x3] =	stream.indirect_vreg.gather [hbm4b:s5+s3], $0x80, v3, vm0, $0xb8;
	[tilespmem:$0x18400] =	vst v63  }
0x174: {  	v3 =	vld [tilespmem:$0x150];
	_ =	sdelay $0x4  }
0x175: {  	v21 =	vshll.u32 v3, $0x2  }
0x176: {  	v3 =	vand.u32 $0x7, v3;
	v4 =	vand.u32 $0xFFFFFFE0, v21  }
0x177: {  	v3 =	vor.u32 v3, v4  }
0x178: {  	v4 =	vperm.xlane v3, v0;
	_ =	sdelay $0x1  }
0x179: {  	v4 =	vadd.s32 v1, v4;
	_ =	sdelay $0x1  }
0x17a: {  	v3 =	vperm.xlane v3, v2;
	_ =	sdelay $0x1  }
0x17b: {  	s19 =	simm.s32 $0x12400;
	v3 =	vadd.s32 v1, v3  }
0x17c: {  	[tilespmem:s19], [sflag:$0x3] =	stream.indirect_vreg.gather [hbm4b:s2+s3], $0x80, v4, vm0, $0xb8;
	[tilespmem:$0x18400] =	vst v63  }
0x17d: {  	s20 =	simm.s32 $0x12C00  }
0x17e: {  	[tilespmem:s20], [sflag:$0x3] =	stream.indirect_vreg.gather [hbm4b:s5+s3], $0x80, v4, vm0, $0xb8;
	[tilespmem:$0x18400] =	vst v63  }
0x17f: {  	s28 =	simm.s32 $0x13400  }
0x180: {  	[tilespmem:s28], [sflag:$0x3] =	stream.indirect_vreg.gather [hbm4b:s2+s3], $0x80, v3, vm0, $0xb8;
	[tilespmem:$0x18400] =	vst v63  }
0x181: {  	s26 =	simm.s32 $0x13C00  }
0x182: {  	[tilespmem:s26], [sflag:$0x3] =	stream.indirect_vreg.gather [hbm4b:s5+s3], $0x80, v3, vm0, $0xb8;
	[tilespmem:$0x18400] =	vst v63  }
0x183: {  	v3 =	vld [tilespmem:$0x160];
	_ =	sdelay $0x4  }
0x184: {  	v22 =	vshll.u32 v3, $0x2  }
0x185: {  	v3 =	vand.u32 $0x7, v3;
	v4 =	vand.u32 $0xFFFFFFE0, v22  }
0x186: {  	v3 =	vor.u32 v3, v4  }
0x187: {  	v4 =	vperm.xlane v3, v0;
	_ =	sdelay $0x1  }
0x188: {  	v4 =	vadd.s32 v1, v4;
	_ =	sdelay $0x1  }
0x189: {  	v3 =	vperm.xlane v3, v2;
	_ =	sdelay $0x1  }
0x18a: {  	s24 =	simm.s32 $0x14400;
	v3 =	vadd.s32 v1, v3  }
0x18b: {  	[tilespmem:s24], [sflag:$0x3] =	stream.indirect_vreg.gather [hbm4b:s2+s3], $0x80, v4, vm0, $0xb8;
	[tilespmem:$0x18400] =	vst v63  }
0x18c: {  	s8 =	simm.s32 $0x14C00  }
0x18d: {  	[tilespmem:s8], [sflag:$0x3] =	stream.indirect_vreg.gather [hbm4b:s5+s3], $0x80, v4, vm0, $0xb8;
	[tilespmem:$0x18400] =	vst v63  }
0x18e: {  	s8 =	simm.s32 $0x15400  }
0x18f: {  	[tilespmem:s8], [sflag:$0x3] =	stream.indirect_vreg.gather [hbm4b:s2+s3], $0x80, v3, vm0, $0xb8;
	[tilespmem:$0x18400] =	vst v63  }
0x190: {  	s9 =	simm.s32 $0x15C00  }
0x191: {  	[tilespmem:s9], [sflag:$0x3] =	stream.indirect_vreg.gather [hbm4b:s5+s3], $0x80, v3, vm0, $0xb8;
	[tilespmem:$0x18400] =	vst v63  }
0x192: {  	v3 =	vld [tilespmem:$0x170];
	_ =	sdelay $0x4  }
0x193: {  	v23 =	vshll.u32 v3, $0x2  }
0x194: {  	v3 =	vand.u32 $0x7, v3;
	v4 =	vand.u32 $0xFFFFFFE0, v23  }
0x195: {  	v3 =	vor.u32 v3, v4  }
0x196: {  	v4 =	vperm.xlane v3, v0;
	_ =	sdelay $0x1  }
0x197: {  	v4 =	vadd.s32 v1, v4;
	_ =	sdelay $0x1  }
0x198: {  	v3 =	vperm.xlane v3, v2;
	_ =	sdelay $0x1  }
0x199: {  	s26 =	simm.s32 $0x16400;
	v3 =	vadd.s32 v1, v3  }
0x19a: {  	[tilespmem:s26], [sflag:$0x3] =	stream.indirect_vreg.gather [hbm4b:s2+s3], $0x80, v4, vm0, $0xb8;
	[tilespmem:$0x18400] =	vst v63  }
0x19b: {  	s9 =	simm.s32 $0x16C00  }
0x19c: {  	[tilespmem:s9], [sflag:$0x3] =	stream.indirect_vreg.gather [hbm4b:s5+s3], $0x80, v4, vm0, $0xb8;
	[tilespmem:$0x18400] =	vst v63  }
0x19d: {  	s26 =	simm.s32 $0x17400  }
0x19e: {  	[tilespmem:s26], [sflag:$0x3] =	stream.indirect_vreg.gather [hbm4b:s2+s3], $0x80, v3, vm0, $0xb8;
	[tilespmem:$0x18400] =	vst v63  }
0x19f: {  	s9 =	simm.s32 $0x17C00  }
0x1a0: {  	[tilespmem:s9], [sflag:$0x3] =	stream.indirect_vreg.gather [hbm4b:s5+s3], $0x80, v3, vm0, $0xb8;
	[tilespmem:$0x18400] =	vst v63  }
0x1a1: {  	s1 =	simm.s32 $0x400;
	s26 =	rddreg [dreg:$0x7]  }
0x1a2: {  	[hbm4b:s26+s3] =	stream.linear.scatter [tilespmem:s1], [sflag:$0x4], $0x8000, $0x38;
	[tilespmem:$0x18400] =	vst v63  }
0x1a3: {  	_ =	swait.ge [sflag:s30], $0x8000  }
0x1a4: {  	[sflag:s30] =	ssyncset.done $0x0  }
0x1a5: {  	[sflag:s30] =	ssyncadd.s32 $0xFFFF8000  }
0x1a6: {  	_ =	swait.ge [sflag:s0], $0x8000  }
0x1a7: {  	[sflag:s0] =	ssyncset.done $0x0  }
0x1a8: {  	[sflag:s0] =	ssyncadd.s32 $0xFFFF8000  }
0x1a9: {  	v3 =	vld [tilespmem:$0x180];
	_ =	sdelay $0x4  }
0x1aa: {  	v24 =	vshll.u32 v3, $0x2  }
0x1ab: {  	v3 =	vand.u32 $0x7, v3;
	v4 =	vand.u32 $0xFFFFFFE0, v24  }
0x1ac: {  	v3 =	vor.u32 v3, v4  }
0x1ad: {  	v4 =	vperm.xlane v3, v0;
	_ =	sdelay $0x1  }
0x1ae: {  	v4 =	vadd.s32 v1, v4;
	_ =	sdelay $0x1  }
0x1af: {  	v3 =	vperm.xlane v3, v2;
	_ =	sdelay $0x1  }
0x1b0: {  	v3 =	vadd.s32 v1, v3  }
0x1b1: {  	[tilespmem:s1], [sflag:$0x1] =	stream.indirect_vreg.gather [hbm4b:s2+s3], $0x80, v4, vm0, $0xb8;
	[tilespmem:$0x18400] =	vst v63  }
0x1b2: {  	_ = 	snop  }
0x1b3: {  	[tilespmem:s22], [sflag:$0x1] =	stream.indirect_vreg.gather [hbm4b:s5+s3], $0x80, v4, vm0, $0xb8;
	[tilespmem:$0x18400] =	vst v63  }
0x1b4: {  	_ = 	snop  }
0x1b5: {  	[tilespmem:s23], [sflag:$0x1] =	stream.indirect_vreg.gather [hbm4b:s2+s3], $0x80, v3, vm0, $0xb8;
	[tilespmem:$0x18400] =	vst v63  }
0x1b6: {  	s26 =	simm.s32 $0x1C00  }
0x1b7: {  	[tilespmem:s26], [sflag:$0x1] =	stream.indirect_vreg.gather [hbm4b:s5+s3], $0x80, v3, vm0, $0xb8;
	[tilespmem:$0x18400] =	vst v63  }
0x1b8: {  	v3 =	vld [tilespmem:$0x190];
	_ =	sdelay $0x4  }
0x1b9: {  	v25 =	vshll.u32 v3, $0x2  }
0x1ba: {  	v3 =	vand.u32 $0x7, v3;
	v4 =	vand.u32 $0xFFFFFFE0, v25  }
0x1bb: {  	v3 =	vor.u32 v3, v4  }
0x1bc: {  	v4 =	vperm.xlane v3, v0;
	_ =	sdelay $0x1  }
0x1bd: {  	v4 =	vadd.s32 v1, v4;
	_ =	sdelay $0x1  }
0x1be: {  	v3 =	vperm.xlane v3, v2;
	_ =	sdelay $0x1  }
0x1bf: {  	v3 =	vadd.s32 v1, v3  }
0x1c0: {  	[tilespmem:s21], [sflag:$0x1] =	stream.indirect_vreg.gather [hbm4b:s2+s3], $0x80, v4, vm0, $0xb8;
	[tilespmem:$0x18400] =	vst v63  }
0x1c1: {  	_ = 	snop  }
0x1c2: {  	[tilespmem:s10], [sflag:$0x1] =	stream.indirect_vreg.gather [hbm4b:s5+s3], $0x80, v4, vm0, $0xb8;
	[tilespmem:$0x18400] =	vst v63  }
0x1c3: {  	_ = 	snop  }
0x1c4: {  	[tilespmem:s11], [sflag:$0x1] =	stream.indirect_vreg.gather [hbm4b:s2+s3], $0x80, v3, vm0, $0xb8;
	[tilespmem:$0x18400] =	vst v63  }
0x1c5: {  	s9 =	simm.s32 $0x3C00  }
0x1c6: {  	[tilespmem:s9], [sflag:$0x1] =	stream.indirect_vreg.gather [hbm4b:s5+s3], $0x80, v3, vm0, $0xb8;
	[tilespmem:$0x18400] =	vst v63  }
0x1c7: {  	v3 =	vld [tilespmem:$0x1A0];
	_ =	sdelay $0x4  }
0x1c8: {  	v26 =	vshll.u32 v3, $0x2  }
0x1c9: {  	v3 =	vand.u32 $0x7, v3;
	v4 =	vand.u32 $0xFFFFFFE0, v26  }
0x1ca: {  	v3 =	vor.u32 v3, v4  }
0x1cb: {  	v4 =	vperm.xlane v3, v0;
	_ =	sdelay $0x1  }
0x1cc: {  	v4 =	vadd.s32 v1, v4;
	_ =	sdelay $0x1  }
0x1cd: {  	v3 =	vperm.xlane v3, v2;
	_ =	sdelay $0x1  }
0x1ce: {  	v3 =	vadd.s32 v1, v3  }
0x1cf: {  	[tilespmem:s12], [sflag:$0x1] =	stream.indirect_vreg.gather [hbm4b:s2+s3], $0x80, v4, vm0, $0xb8;
	[tilespmem:$0x18400] =	vst v63  }
0x1d0: {  	_ = 	snop  }
0x1d1: {  	[tilespmem:s13], [sflag:$0x1] =	stream.indirect_vreg.gather [hbm4b:s5+s3], $0x80, v4, vm0, $0xb8;
	[tilespmem:$0x18400] =	vst v63  }
0x1d2: {  	_ = 	snop  }
0x1d3: {  	[tilespmem:s14], [sflag:$0x1] =	stream.indirect_vreg.gather [hbm4b:s2+s3], $0x80, v3, vm0, $0xb8;
	[tilespmem:$0x18400] =	vst v63  }
0x1d4: {  	s10 =	simm.s32 $0x5C00  }
0x1d5: {  	[tilespmem:s10], [sflag:$0x1] =	stream.indirect_vreg.gather [hbm4b:s5+s3], $0x80, v3, vm0, $0xb8;
	[tilespmem:$0x18400] =	vst v63  }
0x1d6: {  	v3 =	vld [tilespmem:$0x1B0];
	_ =	sdelay $0x4  }
0x1d7: {  	v27 =	vshll.u32 v3, $0x2  }
0x1d8: {  	v3 =	vand.u32 $0x7, v3;
	v4 =	vand.u32 $0xFFFFFFE0, v27  }
0x1d9: {  	v3 =	vor.u32 v3, v4  }
0x1da: {  	v4 =	vperm.xlane v3, v0;
	_ =	sdelay $0x1  }
0x1db: {  	v4 =	vadd.s32 v1, v4;
	_ =	sdelay $0x1  }
0x1dc: {  	v3 =	vperm.xlane v3, v2;
	_ =	sdelay $0x1  }
0x1dd: {  	v3 =	vadd.s32 v1, v3  }
0x1de: {  	[tilespmem:s15], [sflag:$0x1] =	stream.indirect_vreg.gather [hbm4b:s2+s3], $0x80, v4, vm0, $0xb8;
	[tilespmem:$0x18400] =	vst v63  }
0x1df: {  	_ = 	snop  }
0x1e0: {  	[tilespmem:s16], [sflag:$0x1] =	stream.indirect_vreg.gather [hbm4b:s5+s3], $0x80, v4, vm0, $0xb8;
	[tilespmem:$0x18400] =	vst v63  }
0x1e1: {  	_ = 	snop  }
0x1e2: {  	[tilespmem:s17], [sflag:$0x1] =	stream.indirect_vreg.gather [hbm4b:s2+s3], $0x80, v3, vm0, $0xb8;
	[tilespmem:$0x18400] =	vst v63  }
0x1e3: {  	s12 =	simm.s32 $0x7C00  }
0x1e4: {  	[tilespmem:s12], [sflag:$0x1] =	stream.indirect_vreg.gather [hbm4b:s5+s3], $0x80, v3, vm0, $0xb8;
	[tilespmem:$0x18400] =	vst v63  }
0x1e5: {  	s11 =	rddreg [dreg:$0x8];
	s13 =	simm.s32 $0x8400  }
0x1e6: {  	[hbm4b:s11+s3] =	stream.linear.scatter [tilespmem:s13], [sflag:$0x5], $0x8000, $0x38;
	[tilespmem:$0x18400] =	vst v63  }
0x1e7: {  	_ =	swait.ge [sflag:s4], $0x8000  }
0x1e8: {  	[sflag:s4] =	ssyncset.done $0x0  }
0x1e9: {  	[sflag:s4] =	ssyncadd.s32 $0xFFFF8000  }
0x1ea: {  	_ =	swait.ge [sflag:s6], $0x8000  }
0x1eb: {  	[sflag:s6] =	ssyncset.done $0x0  }
0x1ec: {  	[sflag:s6] =	ssyncadd.s32 $0xFFFF8000  }
0x1ed: {  	v3 =	vld [tilespmem:$0x1C0];
	_ =	sdelay $0x4  }
0x1ee: {  	v28 =	vshll.u32 v3, $0x2  }
0x1ef: {  	v3 =	vand.u32 $0x7, v3;
	v4 =	vand.u32 $0xFFFFFFE0, v28  }
0x1f0: {  	v3 =	vor.u32 v3, v4  }
0x1f1: {  	v4 =	vperm.xlane v3, v0;
	_ =	sdelay $0x1  }
0x1f2: {  	v4 =	vadd.s32 v1, v4;
	_ =	sdelay $0x1  }
0x1f3: {  	v3 =	vperm.xlane v3, v2;
	_ =	sdelay $0x1  }
0x1f4: {  	v3 =	vadd.s32 v1, v3  }
0x1f5: {  	[tilespmem:s13], [sflag:$0x2] =	stream.indirect_vreg.gather [hbm4b:s2+s3], $0x80, v4, vm0, $0xb8;
	[tilespmem:$0x18400] =	vst v63  }
0x1f6: {  	s13 =	simm.s32 $0x8C00  }
0x1f7: {  	[tilespmem:s13], [sflag:$0x2] =	stream.indirect_vreg.gather [hbm4b:s5+s3], $0x80, v4, vm0, $0xb8;
	[tilespmem:$0x18400] =	vst v63  }
0x1f8: {  	s14 =	simm.s32 $0x9400  }
0x1f9: {  	[tilespmem:s14], [sflag:$0x2] =	stream.indirect_vreg.gather [hbm4b:s2+s3], $0x80, v3, vm0, $0xb8;
	[tilespmem:$0x18400] =	vst v63  }
0x1fa: {  	_ = 	snop  }
0x1fb: {  	[tilespmem:s7], [sflag:$0x2] =	stream.indirect_vreg.gather [hbm4b:s5+s3], $0x80, v3, vm0, $0xb8;
	[tilespmem:$0x18400] =	vst v63  }
0x1fc: {  	v3 =	vld [tilespmem:$0x1D0];
	_ =	sdelay $0x4  }
0x1fd: {  	v29 =	vshll.u32 v3, $0x2  }
0x1fe: {  	v3 =	vand.u32 $0x7, v3;
	v4 =	vand.u32 $0xFFFFFFE0, v29  }
0x1ff: {  	v3 =	vor.u32 v3, v4  }
0x200: {  	v4 =	vperm.xlane v3, v0;
	_ =	sdelay $0x1  }
0x201: {  	v4 =	vadd.s32 v1, v4;
	_ =	sdelay $0x1  }
0x202: {  	v3 =	vperm.xlane v3, v2;
	_ =	sdelay $0x1  }
0x203: {  	s15 =	simm.s32 $0xA400;
	v3 =	vadd.s32 v1, v3  }
0x204: {  	[tilespmem:s15], [sflag:$0x2] =	stream.indirect_vreg.gather [hbm4b:s2+s3], $0x80, v4, vm0, $0xb8;
	[tilespmem:$0x18400] =	vst v63  }
0x205: {  	s16 =	simm.s32 $0xAC00  }
0x206: {  	[tilespmem:s16], [sflag:$0x2] =	stream.indirect_vreg.gather [hbm4b:s5+s3], $0x80, v4, vm0, $0xb8;
	[tilespmem:$0x18400] =	vst v63  }
0x207: {  	s17 =	simm.s32 $0xB400  }
0x208: {  	[tilespmem:s17], [sflag:$0x2] =	stream.indirect_vreg.gather [hbm4b:s2+s3], $0x80, v3, vm0, $0xb8;
	[tilespmem:$0x18400] =	vst v63  }
0x209: {  	s21 =	simm.s32 $0xBC00  }
0x20a: {  	[tilespmem:s21], [sflag:$0x2] =	stream.indirect_vreg.gather [hbm4b:s5+s3], $0x80, v3, vm0, $0xb8;
	[tilespmem:$0x18400] =	vst v63  }
0x20b: {  	v3 =	vld [tilespmem:$0x1E0];
	_ =	sdelay $0x4  }
0x20c: {  	v30 =	vshll.u32 v3, $0x2  }
0x20d: {  	v3 =	vand.u32 $0x7, v3;
	v4 =	vand.u32 $0xFFFFFFE0, v30  }
0x20e: {  	v3 =	vor.u32 v3, v4  }
0x20f: {  	v4 =	vperm.xlane v3, v0;
	_ =	sdelay $0x1  }
0x210: {  	v4 =	vadd.s32 v1, v4;
	_ =	sdelay $0x1  }
0x211: {  	v3 =	vperm.xlane v3, v2;
	_ =	sdelay $0x1  }
0x212: {  	s21 =	simm.s32 $0xC400;
	v3 =	vadd.s32 v1, v3  }
0x213: {  	[tilespmem:s21], [sflag:$0x2] =	stream.indirect_vreg.gather [hbm4b:s2+s3], $0x80, v4, vm0, $0xb8;
	[tilespmem:$0x18400] =	vst v63  }
0x214: {  	s22 =	simm.s32 $0xCC00  }
0x215: {  	[tilespmem:s22], [sflag:$0x2] =	stream.indirect_vreg.gather [hbm4b:s5+s3], $0x80, v4, vm0, $0xb8;
	[tilespmem:$0x18400] =	vst v63  }
0x216: {  	s26 =	simm.s32 $0xD400  }
0x217: {  	[tilespmem:s26], [sflag:$0x2] =	stream.indirect_vreg.gather [hbm4b:s2+s3], $0x80, v3, vm0, $0xb8;
	[tilespmem:$0x18400] =	vst v63  }
0x218: {  	s9 =	simm.s32 $0xDC00  }
0x219: {  	[tilespmem:s9], [sflag:$0x2] =	stream.indirect_vreg.gather [hbm4b:s5+s3], $0x80, v3, vm0, $0xb8;
	[tilespmem:$0x18400] =	vst v63  }
0x21a: {  	v3 =	vld [tilespmem:$0x1F0];
	_ =	sdelay $0x4  }
0x21b: {  	v31 =	vshll.u32 v3, $0x2  }
0x21c: {  	v3 =	vand.u32 $0x7, v3;
	v4 =	vand.u32 $0xFFFFFFE0, v31  }
0x21d: {  	v3 =	vor.u32 v3, v4  }
0x21e: {  	v4 =	vperm.xlane v3, v0;
	_ =	sdelay $0x1  }
0x21f: {  	v4 =	vadd.s32 v1, v4;
	_ =	sdelay $0x1  }
0x220: {  	v3 =	vperm.xlane v3, v2;
	_ =	sdelay $0x1  }
0x221: {  	s10 =	simm.s32 $0xE400;
	v3 =	vadd.s32 v1, v3  }
0x222: {  	[tilespmem:s10], [sflag:$0x2] =	stream.indirect_vreg.gather [hbm4b:s2+s3], $0x80, v4, vm0, $0xb8;
	[tilespmem:$0x18400] =	vst v63  }
0x223: {  	s11 =	simm.s32 $0xEC00  }
0x224: {  	[tilespmem:s11], [sflag:$0x2] =	stream.indirect_vreg.gather [hbm4b:s5+s3], $0x80, v4, vm0, $0xb8;
	[tilespmem:$0x18400] =	vst v63  }
0x225: {  	s12 =	simm.s32 $0xF400  }
0x226: {  	[tilespmem:s12], [sflag:$0x2] =	stream.indirect_vreg.gather [hbm4b:s2+s3], $0x80, v3, vm0, $0xb8;
	[tilespmem:$0x18400] =	vst v63  }
0x227: {  	s15 =	simm.s32 $0xFC00  }
0x228: {  	[tilespmem:s15], [sflag:$0x2] =	stream.indirect_vreg.gather [hbm4b:s5+s3], $0x80, v3, vm0, $0xb8;
	[tilespmem:$0x18400] =	vst v63  }
0x229: {  	s14 =	rddreg [dreg:$0x9];
	s16 =	simm.s32 $0x10400  }
0x22a: {  	[hbm4b:s14+s3] =	stream.linear.scatter [tilespmem:s16], [sflag:$0x6], $0x8000, $0x38;
	[tilespmem:$0x18400] =	vst v63  }
0x22b: {  	_ =	swait.ge [sflag:s31], $0x8000  }
0x22c: {  	[sflag:s31] =	ssyncset.done $0x0  }
0x22d: {  	[sflag:s31] =	ssyncadd.s32 $0xFFFF8000  }
0x22e: {  	_ =	swait.ge [sflag:s25], $0x8000  }
0x22f: {  	[sflag:s25] =	ssyncset.done $0x0  }
0x230: {  	[sflag:s25] =	ssyncadd.s32 $0xFFFF8000  }
0x231: {  	v3 =	vld [tilespmem:$0x200];
	_ =	sdelay $0x4  }
0x232: {  	v32 =	vshll.u32 v3, $0x2  }
0x233: {  	v3 =	vand.u32 $0x7, v3;
	v4 =	vand.u32 $0xFFFFFFE0, v32  }
0x234: {  	v3 =	vor.u32 v3, v4  }
0x235: {  	v4 =	vperm.xlane v3, v0;
	_ =	sdelay $0x1  }
0x236: {  	v4 =	vadd.s32 v1, v4;
	_ =	sdelay $0x1  }
0x237: {  	v3 =	vperm.xlane v3, v2;
	_ =	sdelay $0x1  }
0x238: {  	v3 =	vadd.s32 v1, v3  }
0x239: {  	[tilespmem:s16], [sflag:$0x3] =	stream.indirect_vreg.gather [hbm4b:s2+s3], $0x80, v4, vm0, $0xb8;
	[tilespmem:$0x18400] =	vst v63  }
0x23a: {  	_ = 	snop  }
0x23b: {  	[tilespmem:s29], [sflag:$0x3] =	stream.indirect_vreg.gather [hbm4b:s5+s3], $0x80, v4, vm0, $0xb8;
	[tilespmem:$0x18400] =	vst v63  }
0x23c: {  	_ = 	snop  }
0x23d: {  	[tilespmem:s18], [sflag:$0x3] =	stream.indirect_vreg.gather [hbm4b:s2+s3], $0x80, v3, vm0, $0xb8;
	[tilespmem:$0x18400] =	vst v63  }
0x23e: {  	s10 =	simm.s32 $0x11C00  }
0x23f: {  	[tilespmem:s10], [sflag:$0x3] =	stream.indirect_vreg.gather [hbm4b:s5+s3], $0x80, v3, vm0, $0xb8;
	[tilespmem:$0x18400] =	vst v63  }
0x240: {  	v3 =	vld [tilespmem:$0x210];
	_ =	sdelay $0x4  }
0x241: {  	v33 =	vshll.u32 v3, $0x2  }
0x242: {  	v3 =	vand.u32 $0x7, v3;
	v4 =	vand.u32 $0xFFFFFFE0, v33  }
0x243: {  	v3 =	vor.u32 v3, v4  }
0x244: {  	v4 =	vperm.xlane v3, v0;
	_ =	sdelay $0x1  }
0x245: {  	v4 =	vadd.s32 v1, v4;
	_ =	sdelay $0x1  }
0x246: {  	v3 =	vperm.xlane v3, v2;
	_ =	sdelay $0x1  }
0x247: {  	v3 =	vadd.s32 v1, v3  }
0x248: {  	[tilespmem:s19], [sflag:$0x3] =	stream.indirect_vreg.gather [hbm4b:s2+s3], $0x80, v4, vm0, $0xb8;
	[tilespmem:$0x18400] =	vst v63  }
0x249: {  	_ = 	snop  }
0x24a: {  	[tilespmem:s20], [sflag:$0x3] =	stream.indirect_vreg.gather [hbm4b:s5+s3], $0x80, v4, vm0, $0xb8;
	[tilespmem:$0x18400] =	vst v63  }
0x24b: {  	_ = 	snop  }
0x24c: {  	[tilespmem:s28], [sflag:$0x3] =	stream.indirect_vreg.gather [hbm4b:s2+s3], $0x80, v3, vm0, $0xb8;
	[tilespmem:$0x18400] =	vst v63  }
0x24d: {  	s12 =	simm.s32 $0x13C00  }
0x24e: {  	[tilespmem:s12], [sflag:$0x3] =	stream.indirect_vreg.gather [hbm4b:s5+s3], $0x80, v3, vm0, $0xb8;
	[tilespmem:$0x18400] =	vst v63  }
0x24f: {  	v3 =	vld [tilespmem:$0x220];
	_ =	sdelay $0x4  }
0x250: {  	v34 =	vshll.u32 v3, $0x2  }
0x251: {  	v3 =	vand.u32 $0x7, v3;
	v4 =	vand.u32 $0xFFFFFFE0, v34  }
0x252: {  	v3 =	vor.u32 v3, v4  }
0x253: {  	v4 =	vperm.xlane v3, v0;
	_ =	sdelay $0x1  }
0x254: {  	v4 =	vadd.s32 v1, v4;
	_ =	sdelay $0x1  }
0x255: {  	v3 =	vperm.xlane v3, v2;
	_ =	sdelay $0x1  }
0x256: {  	v3 =	vadd.s32 v1, v3  }
0x257: {  	[tilespmem:s24], [sflag:$0x3] =	stream.indirect_vreg.gather [hbm4b:s2+s3], $0x80, v4, vm0, $0xb8;
	[tilespmem:$0x18400] =	vst v63  }
0x258: {  	s17 =	simm.s32 $0x14C00  }
0x259: {  	[tilespmem:s17], [sflag:$0x3] =	stream.indirect_vreg.gather [hbm4b:s5+s3], $0x80, v4, vm0, $0xb8;
	[tilespmem:$0x18400] =	vst v63  }
0x25a: {  	_ = 	snop  }
0x25b: {  	[tilespmem:s8], [sflag:$0x3] =	stream.indirect_vreg.gather [hbm4b:s2+s3], $0x80, v3, vm0, $0xb8;
	[tilespmem:$0x18400] =	vst v63  }
0x25c: {  	s8 =	simm.s32 $0x15C00  }
0x25d: {  	[tilespmem:s8], [sflag:$0x3] =	stream.indirect_vreg.gather [hbm4b:s5+s3], $0x80, v3, vm0, $0xb8;
	[tilespmem:$0x18400] =	vst v63  }
0x25e: {  	v3 =	vld [tilespmem:$0x230];
	_ =	sdelay $0x4  }
0x25f: {  	v35 =	vshll.u32 v3, $0x2  }
0x260: {  	v3 =	vand.u32 $0x7, v3;
	v4 =	vand.u32 $0xFFFFFFE0, v35  }
0x261: {  	v3 =	vor.u32 v3, v4  }
0x262: {  	v4 =	vperm.xlane v3, v0;
	_ =	sdelay $0x1  }
0x263: {  	v4 =	vadd.s32 v1, v4;
	_ =	sdelay $0x1  }
0x264: {  	v3 =	vperm.xlane v3, v2;
	_ =	sdelay $0x1  }
0x265: {  	s18 =	simm.s32 $0x16400;
	v3 =	vadd.s32 v1, v3  }
0x266: {  	[tilespmem:s18], [sflag:$0x3] =	stream.indirect_vreg.gather [hbm4b:s2+s3], $0x80, v4, vm0, $0xb8;
	[tilespmem:$0x18400] =	vst v63  }
0x267: {  	s7 =	simm.s32 $0x16C00  }
0x268: {  	[tilespmem:s7], [sflag:$0x3] =	stream.indirect_vreg.gather [hbm4b:s5+s3], $0x80, v4, vm0, $0xb8;
	[tilespmem:$0x18400] =	vst v63  }
0x269: {  	s29 =	simm.s32 $0x17400  }
0x26a: {  	[tilespmem:s29], [sflag:$0x3] =	stream.indirect_vreg.gather [hbm4b:s2+s3], $0x80, v3, vm0, $0xb8;
	[tilespmem:$0x18400] =	vst v63  }
0x26b: {  	s22 =	simm.s32 $0x17C00  }
0x26c: {  	[tilespmem:s22], [sflag:$0x3] =	stream.indirect_vreg.gather [hbm4b:s5+s3], $0x80, v3, vm0, $0xb8;
	[tilespmem:$0x18400] =	vst v63  }
0x26d: {  	s19 =	rddreg [dreg:$0xa];
	s20 =	simm.s32 $0x400  }
0x26e: {  	[hbm4b:s19+s3] =	stream.linear.scatter [tilespmem:s20], [sflag:$0x4], $0x8000, $0x38;
	[tilespmem:$0x18400] =	vst v63  }
0x26f: {  	_ =	swait.ge [sflag:s30], $0x8000  }
0x270: {  	[sflag:s30] =	ssyncset.done $0x0  }
0x271: {  	[sflag:s30] =	ssyncadd.s32 $0xFFFF8000  }
0x272: {  	_ =	swait.ge [sflag:s0], $0x8000  }
0x273: {  	[sflag:s0] =	ssyncset.done $0x0  }
0x274: {  	[sflag:s0] =	ssyncadd.s32 $0xFFFF8000  }
0x275: {  	v3 =	vld [tilespmem:$0x240];
	_ =	sdelay $0x4  }
0x276: {  	v36 =	vshll.u32 v3, $0x2  }
0x277: {  	v3 =	vand.u32 $0x7, v3;
	v4 =	vand.u32 $0xFFFFFFE0, v36  }
0x278: {  	v3 =	vor.u32 v3, v4  }
0x279: {  	v4 =	vperm.xlane v3, v0;
	_ =	sdelay $0x1  }
0x27a: {  	v4 =	vadd.s32 v1, v4;
	_ =	sdelay $0x1  }
0x27b: {  	v3 =	vperm.xlane v3, v2;
	_ =	sdelay $0x1  }
0x27c: {  	v3 =	vadd.s32 v1, v3  }
0x27d: {  	[tilespmem:s20], [sflag:$0x1] =	stream.indirect_vreg.gather [hbm4b:s2+s3], $0x80, v4, vm0, $0xb8;
	[tilespmem:$0x18400] =	vst v63  }
0x27e: {  	s11 =	simm.s32 $0xC00  }
0x27f: {  	[tilespmem:s11], [sflag:$0x1] =	stream.indirect_vreg.gather [hbm4b:s5+s3], $0x80, v4, vm0, $0xb8;
	[tilespmem:$0x18400] =	vst v63  }
0x280: {  	s24 =	simm.s32 $0x1400  }
0x281: {  	[tilespmem:s24], [sflag:$0x1] =	stream.indirect_vreg.gather [hbm4b:s2+s3], $0x80, v3, vm0, $0xb8;
	[tilespmem:$0x18400] =	vst v63  }
0x282: {  	s23 =	simm.s32 $0x1C00  }
0x283: {  	[tilespmem:s23], [sflag:$0x1] =	stream.indirect_vreg.gather [hbm4b:s5+s3], $0x80, v3, vm0, $0xb8;
	[tilespmem:$0x18400] =	vst v63  }
0x284: {  	v3 =	vld [tilespmem:$0x250];
	_ =	sdelay $0x4  }
0x285: {  	v37 =	vshll.u32 v3, $0x2  }
0x286: {  	v3 =	vand.u32 $0x7, v3;
	v4 =	vand.u32 $0xFFFFFFE0, v37  }
0x287: {  	v3 =	vor.u32 v3, v4  }
0x288: {  	v4 =	vperm.xlane v3, v0;
	_ =	sdelay $0x1  }
0x289: {  	v4 =	vadd.s32 v1, v4;
	_ =	sdelay $0x1  }
0x28a: {  	v3 =	vperm.xlane v3, v2;
	_ =	sdelay $0x1  }
0x28b: {  	s14 =	simm.s32 $0x2400;
	v3 =	vadd.s32 v1, v3  }
0x28c: {  	[tilespmem:s14], [sflag:$0x1] =	stream.indirect_vreg.gather [hbm4b:s2+s3], $0x80, v4, vm0, $0xb8;
	[tilespmem:$0x18400] =	vst v63  }
0x28d: {  	s15 =	simm.s32 $0x2C00  }
0x28e: {  	[tilespmem:s15], [sflag:$0x1] =	stream.indirect_vreg.gather [hbm4b:s5+s3], $0x80, v4, vm0, $0xb8;
	[tilespmem:$0x18400] =	vst v63  }
0x28f: {  	s16 =	simm.s32 $0x3400  }
0x290: {  	[tilespmem:s16], [sflag:$0x1] =	stream.indirect_vreg.gather [hbm4b:s2+s3], $0x80, v3, vm0, $0xb8;
	[tilespmem:$0x18400] =	vst v63  }
0x291: {  	s24 =	simm.s32 $0x3C00  }
0x292: {  	[tilespmem:s24], [sflag:$0x1] =	stream.indirect_vreg.gather [hbm4b:s5+s3], $0x80, v3, vm0, $0xb8;
	[tilespmem:$0x18400] =	vst v63  }
0x293: {  	v3 =	vld [tilespmem:$0x260];
	_ =	sdelay $0x4  }
0x294: {  	v38 =	vshll.u32 v3, $0x2  }
0x295: {  	v3 =	vand.u32 $0x7, v3;
	v4 =	vand.u32 $0xFFFFFFE0, v38  }
0x296: {  	v3 =	vor.u32 v3, v4  }
0x297: {  	v4 =	vperm.xlane v3, v0;
	_ =	sdelay $0x1  }
0x298: {  	v4 =	vadd.s32 v1, v4;
	_ =	sdelay $0x1  }
0x299: {  	v3 =	vperm.xlane v3, v2;
	_ =	sdelay $0x1  }
0x29a: {  	s17 =	simm.s32 $0x4400;
	v3 =	vadd.s32 v1, v3  }
0x29b: {  	[tilespmem:s17], [sflag:$0x1] =	stream.indirect_vreg.gather [hbm4b:s2+s3], $0x80, v4, vm0, $0xb8;
	[tilespmem:$0x18400] =	vst v63  }
0x29c: {  	s18 =	simm.s32 $0x4C00  }
0x29d: {  	[tilespmem:s18], [sflag:$0x1] =	stream.indirect_vreg.gather [hbm4b:s5+s3], $0x80, v4, vm0, $0xb8;
	[tilespmem:$0x18400] =	vst v63  }
0x29e: {  	s19 =	simm.s32 $0x5400  }
0x29f: {  	[tilespmem:s19], [sflag:$0x1] =	stream.indirect_vreg.gather [hbm4b:s2+s3], $0x80, v3, vm0, $0xb8;
	[tilespmem:$0x18400] =	vst v63  }
0x2a0: {  	s28 =	simm.s32 $0x5C00  }
0x2a1: {  	[tilespmem:s28], [sflag:$0x1] =	stream.indirect_vreg.gather [hbm4b:s5+s3], $0x80, v3, vm0, $0xb8;
	[tilespmem:$0x18400] =	vst v63  }
0x2a2: {  	v3 =	vld [tilespmem:$0x270];
	_ =	sdelay $0x4  }
0x2a3: {  	v39 =	vshll.u32 v3, $0x2  }
0x2a4: {  	v3 =	vand.u32 $0x7, v3;
	v4 =	vand.u32 $0xFFFFFFE0, v39  }
0x2a5: {  	v3 =	vor.u32 v3, v4  }
0x2a6: {  	v4 =	vperm.xlane v3, v0;
	_ =	sdelay $0x1  }
0x2a7: {  	v4 =	vadd.s32 v1, v4;
	_ =	sdelay $0x1  }
0x2a8: {  	v3 =	vperm.xlane v3, v2;
	_ =	sdelay $0x1  }
0x2a9: {  	s26 =	simm.s32 $0x6400;
	v3 =	vadd.s32 v1, v3  }
0x2aa: {  	[tilespmem:s26], [sflag:$0x1] =	stream.indirect_vreg.gather [hbm4b:s2+s3], $0x80, v4, vm0, $0xb8;
	[tilespmem:$0x18400] =	vst v63  }
0x2ab: {  	s9 =	simm.s32 $0x6C00  }
0x2ac: {  	[tilespmem:s9], [sflag:$0x1] =	stream.indirect_vreg.gather [hbm4b:s5+s3], $0x80, v4, vm0, $0xb8;
	[tilespmem:$0x18400] =	vst v63  }
0x2ad: {  	s20 =	simm.s32 $0x7400  }
0x2ae: {  	[tilespmem:s20], [sflag:$0x1] =	stream.indirect_vreg.gather [hbm4b:s2+s3], $0x80, v3, vm0, $0xb8;
	[tilespmem:$0x18400] =	vst v63  }
0x2af: {  	s23 =	simm.s32 $0x7C00  }
0x2b0: {  	[tilespmem:s23], [sflag:$0x1] =	stream.indirect_vreg.gather [hbm4b:s5+s3], $0x80, v3, vm0, $0xb8;
	[tilespmem:$0x18400] =	vst v63  }
0x2b1: {  	s1 =	simm.s32 $0x8400;
	s26 =	rddreg [dreg:$0xb]  }
0x2b2: {  	[hbm4b:s26+s3] =	stream.linear.scatter [tilespmem:s1], [sflag:$0x5], $0x8000, $0x38;
	[tilespmem:$0x18400] =	vst v63  }
0x2b3: {  	_ =	swait.ge [sflag:s4], $0x8000  }
0x2b4: {  	[sflag:s4] =	ssyncset.done $0x0  }
0x2b5: {  	[sflag:s4] =	ssyncadd.s32 $0xFFFF8000  }
0x2b6: {  	_ =	swait.ge [sflag:s6], $0x8000  }
0x2b7: {  	[sflag:s6] =	ssyncset.done $0x0  }
0x2b8: {  	[sflag:s6] =	ssyncadd.s32 $0xFFFF8000  }
0x2b9: {  	v3 =	vld [tilespmem:$0x280];
	_ =	sdelay $0x4  }
0x2ba: {  	v40 =	vshll.u32 v3, $0x2  }
0x2bb: {  	v3 =	vand.u32 $0x7, v3;
	v4 =	vand.u32 $0xFFFFFFE0, v40  }
0x2bc: {  	v3 =	vor.u32 v3, v4  }
0x2bd: {  	v4 =	vperm.xlane v3, v0;
	_ =	sdelay $0x1  }
0x2be: {  	v4 =	vadd.s32 v1, v4;
	_ =	sdelay $0x1  }
0x2bf: {  	v3 =	vperm.xlane v3, v2;
	_ =	sdelay $0x1  }
0x2c0: {  	v3 =	vadd.s32 v1, v3  }
0x2c1: {  	[tilespmem:s1], [sflag:$0x2] =	stream.indirect_vreg.gather [hbm4b:s2+s3], $0x80, v4, vm0, $0xb8;
	[tilespmem:$0x18400] =	vst v63  }
0x2c2: {  	_ = 	snop  }
0x2c3: {  	[tilespmem:s13], [sflag:$0x2] =	stream.indirect_vreg.gather [hbm4b:s5+s3], $0x80, v4, vm0, $0xb8;
	[tilespmem:$0x18400] =	vst v63  }
0x2c4: {  	s1 =	simm.s32 $0x9400  }
0x2c5: {  	[tilespmem:s1], [sflag:$0x2] =	stream.indirect_vreg.gather [hbm4b:s2+s3], $0x80, v3, vm0, $0xb8;
	[tilespmem:$0x18400] =	vst v63  }
0x2c6: {  	s13 =	simm.s32 $0x9C00  }
0x2c7: {  	[tilespmem:s13], [sflag:$0x2] =	stream.indirect_vreg.gather [hbm4b:s5+s3], $0x80, v3, vm0, $0xb8;
	[tilespmem:$0x18400] =	vst v63  }
0x2c8: {  	v3 =	vld [tilespmem:$0x290];
	_ =	sdelay $0x4  }
0x2c9: {  	v41 =	vshll.u32 v3, $0x2  }
0x2ca: {  	v3 =	vand.u32 $0x7, v3;
	v4 =	vand.u32 $0xFFFFFFE0, v41  }
0x2cb: {  	v3 =	vor.u32 v3, v4  }
0x2cc: {  	v4 =	vperm.xlane v3, v0;
	_ =	sdelay $0x1  }
0x2cd: {  	v4 =	vadd.s32 v1, v4;
	_ =	sdelay $0x1  }
0x2ce: {  	v3 =	vperm.xlane v3, v2;
	_ =	sdelay $0x1  }
0x2cf: {  	s26 =	simm.s32 $0xA400;
	v3 =	vadd.s32 v1, v3  }
0x2d0: {  	[tilespmem:s26], [sflag:$0x2] =	stream.indirect_vreg.gather [hbm4b:s2+s3], $0x80, v4, vm0, $0xb8;
	[tilespmem:$0x18400] =	vst v63  }
0x2d1: {  	s1 =	simm.s32 $0xAC00  }
0x2d2: {  	[tilespmem:s1], [sflag:$0x2] =	stream.indirect_vreg.gather [hbm4b:s5+s3], $0x80, v4, vm0, $0xb8;
	[tilespmem:$0x18400] =	vst v63  }
0x2d3: {  	s13 =	simm.s32 $0xB400  }
0x2d4: {  	[tilespmem:s13], [sflag:$0x2] =	stream.indirect_vreg.gather [hbm4b:s2+s3], $0x80, v3, vm0, $0xb8;
	[tilespmem:$0x18400] =	vst v63  }
0x2d5: {  	s26 =	simm.s32 $0xBC00  }
0x2d6: {  	[tilespmem:s26], [sflag:$0x2] =	stream.indirect_vreg.gather [hbm4b:s5+s3], $0x80, v3, vm0, $0xb8;
	[tilespmem:$0x18400] =	vst v63  }
0x2d7: {  	v3 =	vld [tilespmem:$0x2A0];
	_ =	sdelay $0x4  }
0x2d8: {  	v42 =	vshll.u32 v3, $0x2  }
0x2d9: {  	v3 =	vand.u32 $0x7, v3;
	v4 =	vand.u32 $0xFFFFFFE0, v42  }
0x2da: {  	v3 =	vor.u32 v3, v4  }
0x2db: {  	v4 =	vperm.xlane v3, v0;
	_ =	sdelay $0x1  }
0x2dc: {  	v4 =	vadd.s32 v1, v4;
	_ =	sdelay $0x1  }
0x2dd: {  	v3 =	vperm.xlane v3, v2;
	_ =	sdelay $0x1  }
0x2de: {  	v3 =	vadd.s32 v1, v3  }
0x2df: {  	[tilespmem:s21], [sflag:$0x2] =	stream.indirect_vreg.gather [hbm4b:s2+s3], $0x80, v4, vm0, $0xb8;
	[tilespmem:$0x18400] =	vst v63  }
0x2e0: {  	s13 =	simm.s32 $0xCC00  }
0x2e1: {  	[tilespmem:s13], [sflag:$0x2] =	stream.indirect_vreg.gather [hbm4b:s5+s3], $0x80, v4, vm0, $0xb8;
	[tilespmem:$0x18400] =	vst v63  }
0x2e2: {  	s21 =	simm.s32 $0xD400  }
0x2e3: {  	[tilespmem:s21], [sflag:$0x2] =	stream.indirect_vreg.gather [hbm4b:s2+s3], $0x80, v3, vm0, $0xb8;
	[tilespmem:$0x18400] =	vst v63  }
0x2e4: {  	s26 =	simm.s32 $0xDC00  }
0x2e5: {  	[tilespmem:s26], [sflag:$0x2] =	stream.indirect_vreg.gather [hbm4b:s5+s3], $0x80, v3, vm0, $0xb8;
	[tilespmem:$0x18400] =	vst v63  }
0x2e6: {  	v3 =	vld [tilespmem:$0x2B0];
	_ =	sdelay $0x4  }
0x2e7: {  	v43 =	vshll.u32 v3, $0x2  }
0x2e8: {  	v3 =	vand.u32 $0x7, v3;
	v4 =	vand.u32 $0xFFFFFFE0, v43  }
0x2e9: {  	v3 =	vor.u32 v3, v4  }
0x2ea: {  	v4 =	vperm.xlane v3, v0;
	_ =	sdelay $0x1  }
0x2eb: {  	v4 =	vadd.s32 v1, v4;
	_ =	sdelay $0x1  }
0x2ec: {  	v3 =	vperm.xlane v3, v2;
	_ =	sdelay $0x1  }
0x2ed: {  	s13 =	simm.s32 $0xE400;
	v3 =	vadd.s32 v1, v3  }
0x2ee: {  	[tilespmem:s13], [sflag:$0x2] =	stream.indirect_vreg.gather [hbm4b:s2+s3], $0x80, v4, vm0, $0xb8;
	[tilespmem:$0x18400] =	vst v63  }
0x2ef: {  	s21 =	simm.s32 $0xEC00  }
0x2f0: {  	[tilespmem:s21], [sflag:$0x2] =	stream.indirect_vreg.gather [hbm4b:s5+s3], $0x80, v4, vm0, $0xb8;
	[tilespmem:$0x18400] =	vst v63  }
0x2f1: {  	s26 =	simm.s32 $0xF400  }
0x2f2: {  	[tilespmem:s26], [sflag:$0x2] =	stream.indirect_vreg.gather [hbm4b:s2+s3], $0x80, v3, vm0, $0xb8;
	[tilespmem:$0x18400] =	vst v63  }
0x2f3: {  	s13 =	simm.s32 $0xFC00  }
0x2f4: {  	[tilespmem:s13], [sflag:$0x2] =	stream.indirect_vreg.gather [hbm4b:s5+s3], $0x80, v3, vm0, $0xb8;
	[tilespmem:$0x18400] =	vst v63  }
0x2f5: {  	s1 =	rddreg [dreg:$0xc];
	s21 =	simm.s32 $0x10400  }
0x2f6: {  	[hbm4b:s1+s3] =	stream.linear.scatter [tilespmem:s21], [sflag:$0x6], $0x8000, $0x38;
	[tilespmem:$0x18400] =	vst v63  }
0x2f7: {  	_ =	swait.ge [sflag:s31], $0x8000  }
0x2f8: {  	[sflag:s31] =	ssyncset.done $0x0  }
0x2f9: {  	[sflag:s31] =	ssyncadd.s32 $0xFFFF8000  }
0x2fa: {  	_ =	swait.ge [sflag:s25], $0x8000  }
0x2fb: {  	[sflag:s25] =	ssyncset.done $0x0  }
0x2fc: {  	[sflag:s25] =	ssyncadd.s32 $0xFFFF8000  }
0x2fd: {  	v3 =	vld [tilespmem:$0x2C0];
	_ =	sdelay $0x4  }
0x2fe: {  	v44 =	vshll.u32 v3, $0x2  }
0x2ff: {  	v3 =	vand.u32 $0x7, v3;
	v4 =	vand.u32 $0xFFFFFFE0, v44  }
0x300: {  	v3 =	vor.u32 v3, v4  }
0x301: {  	v4 =	vperm.xlane v3, v0;
	_ =	sdelay $0x1  }
0x302: {  	v4 =	vadd.s32 v1, v4;
	_ =	sdelay $0x1  }
0x303: {  	v3 =	vperm.xlane v3, v2;
	_ =	sdelay $0x1  }
0x304: {  	v3 =	vadd.s32 v1, v3  }
0x305: {  	[tilespmem:s21], [sflag:$0x3] =	stream.indirect_vreg.gather [hbm4b:s2+s3], $0x80, v4, vm0, $0xb8;
	[tilespmem:$0x18400] =	vst v63  }
0x306: {  	s13 =	simm.s32 $0x10C00  }
0x307: {  	[tilespmem:s13], [sflag:$0x3] =	stream.indirect_vreg.gather [hbm4b:s5+s3], $0x80, v4, vm0, $0xb8;
	[tilespmem:$0x18400] =	vst v63  }
0x308: {  	s21 =	simm.s32 $0x11400  }
0x309: {  	[tilespmem:s21], [sflag:$0x3] =	stream.indirect_vreg.gather [hbm4b:s2+s3], $0x80, v3, vm0, $0xb8;
	[tilespmem:$0x18400] =	vst v63  }
0x30a: {  	_ = 	snop  }
0x30b: {  	[tilespmem:s10], [sflag:$0x3] =	stream.indirect_vreg.gather [hbm4b:s5+s3], $0x80, v3, vm0, $0xb8;
	[tilespmem:$0x18400] =	vst v63  }
0x30c: {  	v3 =	vld [tilespmem:$0x2D0];
	_ =	sdelay $0x4  }
0x30d: {  	v45 =	vshll.u32 v3, $0x2  }
0x30e: {  	v3 =	vand.u32 $0x7, v3;
	v4 =	vand.u32 $0xFFFFFFE0, v45  }
0x30f: {  	v3 =	vor.u32 v3, v4  }
0x310: {  	v4 =	vperm.xlane v3, v0;
	_ =	sdelay $0x1  }
0x311: {  	v4 =	vadd.s32 v1, v4;
	_ =	sdelay $0x1  }
0x312: {  	v3 =	vperm.xlane v3, v2;
	_ =	sdelay $0x1  }
0x313: {  	s26 =	simm.s32 $0x12400;
	v3 =	vadd.s32 v1, v3  }
0x314: {  	[tilespmem:s26], [sflag:$0x3] =	stream.indirect_vreg.gather [hbm4b:s2+s3], $0x80, v4, vm0, $0xb8;
	[tilespmem:$0x18400] =	vst v63  }
0x315: {  	s10 =	simm.s32 $0x12C00  }
0x316: {  	[tilespmem:s10], [sflag:$0x3] =	stream.indirect_vreg.gather [hbm4b:s5+s3], $0x80, v4, vm0, $0xb8;
	[tilespmem:$0x18400] =	vst v63  }
0x317: {  	s26 =	simm.s32 $0x13400  }
0x318: {  	[tilespmem:s26], [sflag:$0x3] =	stream.indirect_vreg.gather [hbm4b:s2+s3], $0x80, v3, vm0, $0xb8;
	[tilespmem:$0x18400] =	vst v63  }
0x319: {  	_ = 	snop  }
0x31a: {  	[tilespmem:s12], [sflag:$0x3] =	stream.indirect_vreg.gather [hbm4b:s5+s3], $0x80, v3, vm0, $0xb8;
	[tilespmem:$0x18400] =	vst v63  }
0x31b: {  	v3 =	vld [tilespmem:$0x2E0];
	_ =	sdelay $0x4  }
0x31c: {  	v46 =	vshll.u32 v3, $0x2  }
0x31d: {  	v3 =	vand.u32 $0x7, v3;
	v4 =	vand.u32 $0xFFFFFFE0, v46  }
0x31e: {  	v3 =	vor.u32 v3, v4  }
0x31f: {  	v4 =	vperm.xlane v3, v0;
	_ =	sdelay $0x1  }
0x320: {  	v4 =	vadd.s32 v1, v4;
	_ =	sdelay $0x1  }
0x321: {  	v3 =	vperm.xlane v3, v2;
	_ =	sdelay $0x1  }
0x322: {  	s10 =	simm.s32 $0x14400;
	v3 =	vadd.s32 v1, v3  }
0x323: {  	[tilespmem:s10], [sflag:$0x3] =	stream.indirect_vreg.gather [hbm4b:s2+s3], $0x80, v4, vm0, $0xb8;
	[tilespmem:$0x18400] =	vst v63  }
0x324: {  	s26 =	simm.s32 $0x14C00  }
0x325: {  	[tilespmem:s26], [sflag:$0x3] =	stream.indirect_vreg.gather [hbm4b:s5+s3], $0x80, v4, vm0, $0xb8;
	[tilespmem:$0x18400] =	vst v63  }
0x326: {  	s10 =	simm.s32 $0x15400  }
0x327: {  	[tilespmem:s10], [sflag:$0x3] =	stream.indirect_vreg.gather [hbm4b:s2+s3], $0x80, v3, vm0, $0xb8;
	[tilespmem:$0x18400] =	vst v63  }
0x328: {  	_ = 	snop  }
0x329: {  	[tilespmem:s8], [sflag:$0x3] =	stream.indirect_vreg.gather [hbm4b:s5+s3], $0x80, v3, vm0, $0xb8;
	[tilespmem:$0x18400] =	vst v63  }
0x32a: {  	v3 =	vld [tilespmem:$0x2F0];
	_ =	sdelay $0x4  }
0x32b: {  	v47 =	vshll.u32 v3, $0x2  }
0x32c: {  	v3 =	vand.u32 $0x7, v3;
	v4 =	vand.u32 $0xFFFFFFE0, v47  }
0x32d: {  	v3 =	vor.u32 v3, v4  }
0x32e: {  	v4 =	vperm.xlane v3, v0;
	_ =	sdelay $0x1  }
0x32f: {  	v4 =	vadd.s32 v1, v4;
	_ =	sdelay $0x1  }
0x330: {  	v3 =	vperm.xlane v3, v2;
	_ =	sdelay $0x1  }
0x331: {  	s26 =	simm.s32 $0x16400;
	v3 =	vadd.s32 v1, v3  }
0x332: {  	[tilespmem:s26], [sflag:$0x3] =	stream.indirect_vreg.gather [hbm4b:s2+s3], $0x80, v4, vm0, $0xb8;
	[tilespmem:$0x18400] =	vst v63  }
0x333: {  	_ = 	snop  }
0x334: {  	[tilespmem:s7], [sflag:$0x3] =	stream.indirect_vreg.gather [hbm4b:s5+s3], $0x80, v4, vm0, $0xb8;
	[tilespmem:$0x18400] =	vst v63  }
0x335: {  	_ = 	snop  }
0x336: {  	[tilespmem:s29], [sflag:$0x3] =	stream.indirect_vreg.gather [hbm4b:s2+s3], $0x80, v3, vm0, $0xb8;
	[tilespmem:$0x18400] =	vst v63  }
0x337: {  	_ = 	snop  }
0x338: {  	[tilespmem:s22], [sflag:$0x3] =	stream.indirect_vreg.gather [hbm4b:s5+s3], $0x80, v3, vm0, $0xb8;
	[tilespmem:$0x18400] =	vst v63  }
0x339: {  	s1 =	rddreg [dreg:$0xd];
	s7 =	simm.s32 $0x400  }
0x33a: {  	[hbm4b:s1+s3] =	stream.linear.scatter [tilespmem:s7], [sflag:$0x4], $0x8000, $0x38;
	[tilespmem:$0x18400] =	vst v63  }
0x33b: {  	_ =	swait.ge [sflag:s30], $0x8000  }
0x33c: {  	[sflag:s30] =	ssyncset.done $0x0  }
0x33d: {  	[sflag:s30] =	ssyncadd.s32 $0xFFFF8000  }
0x33e: {  	_ =	swait.ge [sflag:s0], $0x8000  }
0x33f: {  	[sflag:s0] =	ssyncset.done $0x0  }
0x340: {  	[sflag:s0] =	ssyncadd.s32 $0xFFFF8000  }
0x341: {  	v3 =	vld [tilespmem:$0x300];
	_ =	sdelay $0x4  }
0x342: {  	v48 =	vshll.u32 v3, $0x2  }
0x343: {  	v3 =	vand.u32 $0x7, v3;
	v4 =	vand.u32 $0xFFFFFFE0, v48  }
0x344: {  	v3 =	vor.u32 v3, v4  }
0x345: {  	v4 =	vperm.xlane v3, v0;
	_ =	sdelay $0x1  }
0x346: {  	v4 =	vadd.s32 v1, v4;
	_ =	sdelay $0x1  }
0x347: {  	v3 =	vperm.xlane v3, v2;
	_ =	sdelay $0x1  }
0x348: {  	v3 =	vadd.s32 v1, v3  }
0x349: {  	[tilespmem:s7], [sflag:$0x1] =	stream.indirect_vreg.gather [hbm4b:s2+s3], $0x80, v4, vm0, $0xb8;
	[tilespmem:$0x18400] =	vst v63  }
0x34a: {  	_ = 	snop  }
0x34b: {  	[tilespmem:s11], [sflag:$0x1] =	stream.indirect_vreg.gather [hbm4b:s5+s3], $0x80, v4, vm0, $0xb8;
	[tilespmem:$0x18400] =	vst v63  }
0x34c: {  	s26 =	simm.s32 $0x1400  }
0x34d: {  	[tilespmem:s26], [sflag:$0x1] =	stream.indirect_vreg.gather [hbm4b:s2+s3], $0x80, v3, vm0, $0xb8;
	[tilespmem:$0x18400] =	vst v63  }
0x34e: {  	s7 =	simm.s32 $0x1C00  }
0x34f: {  	[tilespmem:s7], [sflag:$0x1] =	stream.indirect_vreg.gather [hbm4b:s5+s3], $0x80, v3, vm0, $0xb8;
	[tilespmem:$0x18400] =	vst v63  }
0x350: {  	v3 =	vld [tilespmem:$0x310];
	_ =	sdelay $0x4  }
0x351: {  	v49 =	vshll.u32 v3, $0x2  }
0x352: {  	v3 =	vand.u32 $0x7, v3;
	v4 =	vand.u32 $0xFFFFFFE0, v49  }
0x353: {  	v3 =	vor.u32 v3, v4  }
0x354: {  	v4 =	vperm.xlane v3, v0;
	_ =	sdelay $0x1  }
0x355: {  	v4 =	vadd.s32 v1, v4;
	_ =	sdelay $0x1  }
0x356: {  	v3 =	vperm.xlane v3, v2;
	_ =	sdelay $0x1  }
0x357: {  	v3 =	vadd.s32 v1, v3  }
0x358: {  	[tilespmem:s14], [sflag:$0x1] =	stream.indirect_vreg.gather [hbm4b:s2+s3], $0x80, v4, vm0, $0xb8;
	[tilespmem:$0x18400] =	vst v63  }
0x359: {  	_ = 	snop  }
0x35a: {  	[tilespmem:s15], [sflag:$0x1] =	stream.indirect_vreg.gather [hbm4b:s5+s3], $0x80, v4, vm0, $0xb8;
	[tilespmem:$0x18400] =	vst v63  }
0x35b: {  	_ = 	snop  }
0x35c: {  	[tilespmem:s16], [sflag:$0x1] =	stream.indirect_vreg.gather [hbm4b:s2+s3], $0x80, v3, vm0, $0xb8;
	[tilespmem:$0x18400] =	vst v63  }
0x35d: {  	_ = 	snop  }
0x35e: {  	[tilespmem:s24], [sflag:$0x1] =	stream.indirect_vreg.gather [hbm4b:s5+s3], $0x80, v3, vm0, $0xb8;
	[tilespmem:$0x18400] =	vst v63  }
0x35f: {  	v3 =	vld [tilespmem:$0x320];
	_ =	sdelay $0x4  }
0x360: {  	v50 =	vshll.u32 v3, $0x2  }
0x361: {  	v3 =	vand.u32 $0x7, v3;
	v4 =	vand.u32 $0xFFFFFFE0, v50  }
0x362: {  	v3 =	vor.u32 v3, v4  }
0x363: {  	v4 =	vperm.xlane v3, v0;
	_ =	sdelay $0x1  }
0x364: {  	v4 =	vadd.s32 v1, v4;
	_ =	sdelay $0x1  }
0x365: {  	v3 =	vperm.xlane v3, v2;
	_ =	sdelay $0x1  }
0x366: {  	v3 =	vadd.s32 v1, v3  }
0x367: {  	[tilespmem:s17], [sflag:$0x1] =	stream.indirect_vreg.gather [hbm4b:s2+s3], $0x80, v4, vm0, $0xb8;
	[tilespmem:$0x18400] =	vst v63  }
0x368: {  	_ = 	snop  }
0x369: {  	[tilespmem:s18], [sflag:$0x1] =	stream.indirect_vreg.gather [hbm4b:s5+s3], $0x80, v4, vm0, $0xb8;
	[tilespmem:$0x18400] =	vst v63  }
0x36a: {  	_ = 	snop  }
0x36b: {  	[tilespmem:s19], [sflag:$0x1] =	stream.indirect_vreg.gather [hbm4b:s2+s3], $0x80, v3, vm0, $0xb8;
	[tilespmem:$0x18400] =	vst v63  }
0x36c: {  	_ = 	snop  }
0x36d: {  	[tilespmem:s28], [sflag:$0x1] =	stream.indirect_vreg.gather [hbm4b:s5+s3], $0x80, v3, vm0, $0xb8;
	[tilespmem:$0x18400] =	vst v63  }
0x36e: {  	v3 =	vld [tilespmem:$0x330];
	_ =	sdelay $0x4  }
0x36f: {  	v51 =	vshll.u32 v3, $0x2  }
0x370: {  	v3 =	vand.u32 $0x7, v3;
	v4 =	vand.u32 $0xFFFFFFE0, v51  }
0x371: {  	v3 =	vor.u32 v3, v4  }
0x372: {  	v4 =	vperm.xlane v3, v0;
	_ =	sdelay $0x1  }
0x373: {  	v4 =	vadd.s32 v1, v4;
	_ =	sdelay $0x1  }
0x374: {  	v3 =	vperm.xlane v3, v2;
	_ =	sdelay $0x1  }
0x375: {  	s26 =	simm.s32 $0x6400;
	v3 =	vadd.s32 v1, v3  }
0x376: {  	[tilespmem:s26], [sflag:$0x1] =	stream.indirect_vreg.gather [hbm4b:s2+s3], $0x80, v4, vm0, $0xb8;
	[tilespmem:$0x18400] =	vst v63  }
0x377: {  	_ = 	snop  }
0x378: {  	[tilespmem:s9], [sflag:$0x1] =	stream.indirect_vreg.gather [hbm4b:s5+s3], $0x80, v4, vm0, $0xb8;
	[tilespmem:$0x18400] =	vst v63  }
0x379: {  	_ = 	snop  }
0x37a: {  	[tilespmem:s20], [sflag:$0x1] =	stream.indirect_vreg.gather [hbm4b:s2+s3], $0x80, v3, vm0, $0xb8;
	[tilespmem:$0x18400] =	vst v63  }
0x37b: {  	_ = 	snop  }
0x37c: {  	[tilespmem:s23], [sflag:$0x1] =	stream.indirect_vreg.gather [hbm4b:s5+s3], $0x80, v3, vm0, $0xb8;
	[tilespmem:$0x18400] =	vst v63  }
0x37d: {  	s1 =	rddreg [dreg:$0xe];
	s7 =	simm.s32 $0x8400  }
0x37e: {  	[hbm4b:s1+s3] =	stream.linear.scatter [tilespmem:s7], [sflag:$0x5], $0x8000, $0x38;
	[tilespmem:$0x18400] =	vst v63  }
0x37f: {  	_ =	swait.ge [sflag:s4], $0x8000  }
0x380: {  	[sflag:s4] =	ssyncset.done $0x0  }
0x381: {  	[sflag:s4] =	ssyncadd.s32 $0xFFFF8000  }
0x382: {  	_ =	swait.ge [sflag:s6], $0x8000  }
0x383: {  	[sflag:s6] =	ssyncset.done $0x0  }
0x384: {  	[sflag:s6] =	ssyncadd.s32 $0xFFFF8000  }
0x385: {  	v3 =	vld [tilespmem:$0x340];
	_ =	sdelay $0x4  }
0x386: {  	v52 =	vshll.u32 v3, $0x2  }
0x387: {  	v3 =	vand.u32 $0x7, v3;
	v4 =	vand.u32 $0xFFFFFFE0, v52  }
0x388: {  	v3 =	vor.u32 v3, v4  }
0x389: {  	v4 =	vperm.xlane v3, v0;
	_ =	sdelay $0x1  }
0x38a: {  	v4 =	vadd.s32 v1, v4;
	_ =	sdelay $0x1  }
0x38b: {  	v3 =	vperm.xlane v3, v2;
	_ =	sdelay $0x1  }
0x38c: {  	v3 =	vadd.s32 v1, v3  }
0x38d: {  	[tilespmem:s7], [sflag:$0x2] =	stream.indirect_vreg.gather [hbm4b:s2+s3], $0x80, v4, vm0, $0xb8;
	[tilespmem:$0x18400] =	vst v63  }
0x38e: {  	s6 =	simm.s32 $0x8C00  }
0x38f: {  	[tilespmem:s6], [sflag:$0x2] =	stream.indirect_vreg.gather [hbm4b:s5+s3], $0x80, v4, vm0, $0xb8;
	[tilespmem:$0x18400] =	vst v63  }
0x390: {  	s26 =	simm.s32 $0x9400  }
0x391: {  	[tilespmem:s26], [sflag:$0x2] =	stream.indirect_vreg.gather [hbm4b:s2+s3], $0x80, v3, vm0, $0xb8;
	[tilespmem:$0x18400] =	vst v63  }
0x392: {  	s6 =	simm.s32 $0x9C00  }
0x393: {  	[tilespmem:s6], [sflag:$0x2] =	stream.indirect_vreg.gather [hbm4b:s5+s3], $0x80, v3, vm0, $0xb8;
	[tilespmem:$0x18400] =	vst v63  }
0x394: {  	v3 =	vld [tilespmem:$0x350];
	_ =	sdelay $0x4  }
0x395: {  	v53 =	vshll.u32 v3, $0x2  }
0x396: {  	v3 =	vand.u32 $0x7, v3;
	v4 =	vand.u32 $0xFFFFFFE0, v53  }
0x397: {  	v3 =	vor.u32 v3, v4  }
0x398: {  	v4 =	vperm.xlane v3, v0;
	_ =	sdelay $0x1  }
0x399: {  	v4 =	vadd.s32 v1, v4;
	_ =	sdelay $0x1  }
0x39a: {  	v3 =	vperm.xlane v3, v2;
	_ =	sdelay $0x1  }
0x39b: {  	s26 =	simm.s32 $0xA400;
	v3 =	vadd.s32 v1, v3  }
0x39c: {  	[tilespmem:s26], [sflag:$0x2] =	stream.indirect_vreg.gather [hbm4b:s2+s3], $0x80, v4, vm0, $0xb8;
	[tilespmem:$0x18400] =	vst v63  }
0x39d: {  	s6 =	simm.s32 $0xAC00  }
0x39e: {  	[tilespmem:s6], [sflag:$0x2] =	stream.indirect_vreg.gather [hbm4b:s5+s3], $0x80, v4, vm0, $0xb8;
	[tilespmem:$0x18400] =	vst v63  }
0x39f: {  	s26 =	simm.s32 $0xB400  }
0x3a0: {  	[tilespmem:s26], [sflag:$0x2] =	stream.indirect_vreg.gather [hbm4b:s2+s3], $0x80, v3, vm0, $0xb8;
	[tilespmem:$0x18400] =	vst v63  }
0x3a1: {  	s6 =	simm.s32 $0xBC00  }
0x3a2: {  	[tilespmem:s6], [sflag:$0x2] =	stream.indirect_vreg.gather [hbm4b:s5+s3], $0x80, v3, vm0, $0xb8;
	[tilespmem:$0x18400] =	vst v63  }
0x3a3: {  	v3 =	vld [tilespmem:$0x360];
	_ =	sdelay $0x4  }
0x3a4: {  	v54 =	vshll.u32 v3, $0x2  }
0x3a5: {  	v3 =	vand.u32 $0x7, v3;
	v4 =	vand.u32 $0xFFFFFFE0, v54  }
0x3a6: {  	v3 =	vor.u32 v3, v4  }
0x3a7: {  	v4 =	vperm.xlane v3, v0;
	_ =	sdelay $0x1  }
0x3a8: {  	v4 =	vadd.s32 v1, v4;
	_ =	sdelay $0x1  }
0x3a9: {  	v3 =	vperm.xlane v3, v2;
	_ =	sdelay $0x1  }
0x3aa: {  	s26 =	simm.s32 $0xC400;
	v3 =	vadd.s32 v1, v3  }
0x3ab: {  	[tilespmem:s26], [sflag:$0x2] =	stream.indirect_vreg.gather [hbm4b:s2+s3], $0x80, v4, vm0, $0xb8;
	[tilespmem:$0x18400] =	vst v63  }
0x3ac: {  	s6 =	simm.s32 $0xCC00  }
0x3ad: {  	[tilespmem:s6], [sflag:$0x2] =	stream.indirect_vreg.gather [hbm4b:s5+s3], $0x80, v4, vm0, $0xb8;
	[tilespmem:$0x18400] =	vst v63  }
0x3ae: {  	s26 =	simm.s32 $0xD400  }
0x3af: {  	[tilespmem:s26], [sflag:$0x2] =	stream.indirect_vreg.gather [hbm4b:s2+s3], $0x80, v3, vm0, $0xb8;
	[tilespmem:$0x18400] =	vst v63  }
0x3b0: {  	s6 =	simm.s32 $0xDC00  }
0x3b1: {  	[tilespmem:s6], [sflag:$0x2] =	stream.indirect_vreg.gather [hbm4b:s5+s3], $0x80, v3, vm0, $0xb8;
	[tilespmem:$0x18400] =	vst v63  }
0x3b2: {  	v3 =	vld [tilespmem:$0x370];
	_ =	sdelay $0x4  }
0x3b3: {  	v55 =	vshll.u32 v3, $0x2  }
0x3b4: {  	v3 =	vand.u32 $0x7, v3;
	v4 =	vand.u32 $0xFFFFFFE0, v55  }
0x3b5: {  	v3 =	vor.u32 v3, v4  }
0x3b6: {  	v4 =	vperm.xlane v3, v0;
	_ =	sdelay $0x1  }
0x3b7: {  	v4 =	vadd.s32 v1, v4;
	_ =	sdelay $0x1  }
0x3b8: {  	v3 =	vperm.xlane v3, v2;
	_ =	sdelay $0x1  }
0x3b9: {  	s26 =	simm.s32 $0xE400;
	v3 =	vadd.s32 v1, v3  }
0x3ba: {  	[tilespmem:s26], [sflag:$0x2] =	stream.indirect_vreg.gather [hbm4b:s2+s3], $0x80, v4, vm0, $0xb8;
	[tilespmem:$0x18400] =	vst v63  }
0x3bb: {  	s6 =	simm.s32 $0xEC00  }
0x3bc: {  	[tilespmem:s6], [sflag:$0x2] =	stream.indirect_vreg.gather [hbm4b:s5+s3], $0x80, v4, vm0, $0xb8;
	[tilespmem:$0x18400] =	vst v63  }
0x3bd: {  	s26 =	simm.s32 $0xF400  }
0x3be: {  	[tilespmem:s26], [sflag:$0x2] =	stream.indirect_vreg.gather [hbm4b:s2+s3], $0x80, v3, vm0, $0xb8;
	[tilespmem:$0x18400] =	vst v63  }
0x3bf: {  	s6 =	simm.s32 $0xFC00  }
0x3c0: {  	[tilespmem:s6], [sflag:$0x2] =	stream.indirect_vreg.gather [hbm4b:s5+s3], $0x80, v3, vm0, $0xb8;
	[tilespmem:$0x18400] =	vst v63  }
0x3c1: {  	s26 =	rddreg [dreg:$0xf];
	s6 =	simm.s32 $0x10400  }
0x3c2: {  	[hbm4b:s26+s3] =	stream.linear.scatter [tilespmem:s6], [sflag:$0x6], $0x8000, $0x38;
	[tilespmem:$0x18400] =	vst v63  }
0x3c3: {  	_ =	swait.ge [sflag:s31], $0x8000  }
0x3c4: {  	[sflag:s31] =	ssyncset.done $0x0  }
0x3c5: {  	[sflag:s31] =	ssyncadd.s32 $0xFFFF8000  }
0x3c6: {  	_ =	swait.ge [sflag:s25], $0x8000  }
0x3c7: {  	[sflag:s25] =	ssyncset.done $0x0  }
0x3c8: {  	[sflag:s25] =	ssyncadd.s32 $0xFFFF8000  }
0x3c9: {  	v3 =	vld [tilespmem:$0x380];
	_ =	sdelay $0x4  }
0x3ca: {  	v56 =	vshll.u32 v3, $0x2  }
0x3cb: {  	v3 =	vand.u32 $0x7, v3;
	v4 =	vand.u32 $0xFFFFFFE0, v56  }
0x3cc: {  	v3 =	vor.u32 v3, v4  }
0x3cd: {  	v4 =	vperm.xlane v3, v0;
	_ =	sdelay $0x1  }
0x3ce: {  	v4 =	vadd.s32 v1, v4;
	_ =	sdelay $0x1  }
0x3cf: {  	v3 =	vperm.xlane v3, v2;
	_ =	sdelay $0x1  }
0x3d0: {  	v3 =	vadd.s32 v1, v3  }
0x3d1: {  	[tilespmem:s6], [sflag:$0x3] =	stream.indirect_vreg.gather [hbm4b:s2+s3], $0x80, v4, vm0, $0xb8;
	[tilespmem:$0x18400] =	vst v63  }
0x3d2: {  	_ = 	snop  }
0x3d3: {  	[tilespmem:s13], [sflag:$0x3] =	stream.indirect_vreg.gather [hbm4b:s5+s3], $0x80, v4, vm0, $0xb8;
	[tilespmem:$0x18400] =	vst v63  }
0x3d4: {  	_ = 	snop  }
0x3d5: {  	[tilespmem:s21], [sflag:$0x3] =	stream.indirect_vreg.gather [hbm4b:s2+s3], $0x80, v3, vm0, $0xb8;
	[tilespmem:$0x18400] =	vst v63  }
0x3d6: {  	s21 =	simm.s32 $0x11C00  }
0x3d7: {  	[tilespmem:s21], [sflag:$0x3] =	stream.indirect_vreg.gather [hbm4b:s5+s3], $0x80, v3, vm0, $0xb8;
	[tilespmem:$0x18400] =	vst v63  }
0x3d8: {  	v3 =	vld [tilespmem:$0x390];
	_ =	sdelay $0x4  }
0x3d9: {  	v57 =	vshll.u32 v3, $0x2  }
0x3da: {  	v3 =	vand.u32 $0x7, v3;
	v4 =	vand.u32 $0xFFFFFFE0, v57  }
0x3db: {  	v3 =	vor.u32 v3, v4  }
0x3dc: {  	v4 =	vperm.xlane v3, v0;
	_ =	sdelay $0x1  }
0x3dd: {  	v4 =	vadd.s32 v1, v4;
	_ =	sdelay $0x1  }
0x3de: {  	v3 =	vperm.xlane v3, v2;
	_ =	sdelay $0x1  }
0x3df: {  	s26 =	simm.s32 $0x12400;
	v3 =	vadd.s32 v1, v3  }
0x3e0: {  	[tilespmem:s26], [sflag:$0x3] =	stream.indirect_vreg.gather [hbm4b:s2+s3], $0x80, v4, vm0, $0xb8;
	[tilespmem:$0x18400] =	vst v63  }
0x3e1: {  	s13 =	simm.s32 $0x12C00  }
0x3e2: {  	[tilespmem:s13], [sflag:$0x3] =	stream.indirect_vreg.gather [hbm4b:s5+s3], $0x80, v4, vm0, $0xb8;
	[tilespmem:$0x18400] =	vst v63  }
0x3e3: {  	s21 =	simm.s32 $0x13400  }
0x3e4: {  	[tilespmem:s21], [sflag:$0x3] =	stream.indirect_vreg.gather [hbm4b:s2+s3], $0x80, v3, vm0, $0xb8;
	[tilespmem:$0x18400] =	vst v63  }
0x3e5: {  	s12 =	simm.s32 $0x13C00  }
0x3e6: {  	[tilespmem:s12], [sflag:$0x3] =	stream.indirect_vreg.gather [hbm4b:s5+s3], $0x80, v3, vm0, $0xb8;
	[tilespmem:$0x18400] =	vst v63  }
0x3e7: {  	v3 =	vld [tilespmem:$0x3A0];
	_ =	sdelay $0x4  }
0x3e8: {  	v58 =	vshll.u32 v3, $0x2  }
0x3e9: {  	v3 =	vand.u32 $0x7, v3;
	v4 =	vand.u32 $0xFFFFFFE0, v58  }
0x3ea: {  	v3 =	vor.u32 v3, v4  }
0x3eb: {  	v4 =	vperm.xlane v3, v0;
	_ =	sdelay $0x1  }
0x3ec: {  	v4 =	vadd.s32 v1, v4;
	_ =	sdelay $0x1  }
0x3ed: {  	v3 =	vperm.xlane v3, v2;
	_ =	sdelay $0x1  }
0x3ee: {  	s26 =	simm.s32 $0x14400;
	v3 =	vadd.s32 v1, v3  }
0x3ef: {  	[tilespmem:s26], [sflag:$0x3] =	stream.indirect_vreg.gather [hbm4b:s2+s3], $0x80, v4, vm0, $0xb8;
	[tilespmem:$0x18400] =	vst v63  }
0x3f0: {  	s12 =	simm.s32 $0x14C00  }
0x3f1: {  	[tilespmem:s12], [sflag:$0x3] =	stream.indirect_vreg.gather [hbm4b:s5+s3], $0x80, v4, vm0, $0xb8;
	[tilespmem:$0x18400] =	vst v63  }
0x3f2: {  	s13 =	simm.s32 $0x15400  }
0x3f3: {  	[tilespmem:s13], [sflag:$0x3] =	stream.indirect_vreg.gather [hbm4b:s2+s3], $0x80, v3, vm0, $0xb8;
	[tilespmem:$0x18400] =	vst v63  }
0x3f4: {  	s10 =	simm.s32 $0x15C00  }
0x3f5: {  	[tilespmem:s10], [sflag:$0x3] =	stream.indirect_vreg.gather [hbm4b:s5+s3], $0x80, v3, vm0, $0xb8;
	[tilespmem:$0x18400] =	vst v63  }
0x3f6: {  	v3 =	vld [tilespmem:$0x3B0];
	_ =	sdelay $0x4  }
0x3f7: {  	v59 =	vshll.u32 v3, $0x2  }
0x3f8: {  	v3 =	vand.u32 $0x7, v3;
	v4 =	vand.u32 $0xFFFFFFE0, v59  }
0x3f9: {  	v3 =	vor.u32 v3, v4  }
0x3fa: {  	v4 =	vperm.xlane v3, v0;
	_ =	sdelay $0x1  }
0x3fb: {  	v4 =	vadd.s32 v1, v4;
	_ =	sdelay $0x1  }
0x3fc: {  	v3 =	vperm.xlane v3, v2;
	_ =	sdelay $0x1  }
0x3fd: {  	s21 =	simm.s32 $0x16400;
	v3 =	vadd.s32 v1, v3  }
0x3fe: {  	[tilespmem:s21], [sflag:$0x3] =	stream.indirect_vreg.gather [hbm4b:s2+s3], $0x80, v4, vm0, $0xb8;
	[tilespmem:$0x18400] =	vst v63  }
0x3ff: {  	s26 =	simm.s32 $0x16C00  }
0x400: {  	[tilespmem:s26], [sflag:$0x3] =	stream.indirect_vreg.gather [hbm4b:s5+s3], $0x80, v4, vm0, $0xb8;
	[tilespmem:$0x18400] =	vst v63  }
0x401: {  	s8 =	simm.s32 $0x17400  }
0x402: {  	[tilespmem:s8], [sflag:$0x3] =	stream.indirect_vreg.gather [hbm4b:s2+s3], $0x80, v3, vm0, $0xb8;
	[tilespmem:$0x18400] =	vst v63  }
0x403: {  	s22 =	simm.s32 $0x17C00  }
0x404: {  	[tilespmem:s22], [sflag:$0x3] =	stream.indirect_vreg.gather [hbm4b:s5+s3], $0x80, v3, vm0, $0xb8;
	[tilespmem:$0x18400] =	vst v63  }
0x405: {  	s29 =	simm.s32 $0x400;
	s10 =	rddreg [dreg:$0x10]  }
0x406: {  	[hbm4b:s10+s3] =	stream.linear.scatter [tilespmem:s29], [sflag:$0x4], $0x8000, $0x38;
	[tilespmem:$0x18400] =	vst v63  }
0x407: {  	s1 =	rddreg [dreg:$0x15];
	_ =	swait.ge [sflag:s30], $0x8000  }
0x408: {  	[sflag:s30] =	ssyncset.done $0x0  }
0x409: {  	[sflag:s30] =	ssyncadd.s32 $0xFFFF8000  }
0x40a: {  	_ =	swait.ge [sflag:s0], $0x8000  }
0x40b: {  	[sflag:s0] =	ssyncset.done $0x0  }
0x40c: {  	[sflag:s0] =	ssyncadd.s32 $0xFFFF8000  }
0x40d: {  	v3 =	vld [tilespmem:$0x3C0];
	_ =	sdelay $0x4  }
0x40e: {  	v60 =	vshll.u32 v3, $0x2  }
0x40f: {  	v3 =	vand.u32 $0x7, v3;
	v4 =	vand.u32 $0xFFFFFFE0, v60  }
0x410: {  	v3 =	vor.u32 v3, v4  }
0x411: {  	v4 =	vperm.xlane v3, v0;
	_ =	sdelay $0x1  }
0x412: {  	v4 =	vadd.s32 v1, v4;
	_ =	sdelay $0x1  }
0x413: {  	v3 =	vperm.xlane v3, v2;
	_ =	sdelay $0x1  }
0x414: {  	v3 =	vadd.s32 v1, v3  }
0x415: {  	[tilespmem:s29], [sflag:$0x1] =	stream.indirect_vreg.gather [hbm4b:s2+s3], $0x80, v4, vm0, $0xb8;
	[tilespmem:$0x18400] =	vst v63  }
0x416: {  	s12 =	simm.s32 $0xC00  }
0x417: {  	[tilespmem:s12], [sflag:$0x1] =	stream.indirect_vreg.gather [hbm4b:s5+s3], $0x80, v4, vm0, $0xb8;
	[tilespmem:$0x18400] =	vst v63  }
0x418: {  	s11 =	simm.s32 $0x1400  }
0x419: {  	[tilespmem:s11], [sflag:$0x1] =	stream.indirect_vreg.gather [hbm4b:s2+s3], $0x80, v3, vm0, $0xb8;
	[tilespmem:$0x18400] =	vst v63  }
0x41a: {  	s13 =	simm.s32 $0x1C00  }
0x41b: {  	[tilespmem:s13], [sflag:$0x1] =	stream.indirect_vreg.gather [hbm4b:s5+s3], $0x80, v3, vm0, $0xb8;
	[tilespmem:$0x18400] =	vst v63  }
0x41c: {  	v3 =	vld [tilespmem:$0x3D0];
	_ =	sdelay $0x4  }
0x41d: {  	v61 =	vshll.u32 v3, $0x2  }
0x41e: {  	v3 =	vand.u32 $0x7, v3;
	v4 =	vand.u32 $0xFFFFFFE0, v61  }
0x41f: {  	v3 =	vor.u32 v3, v4  }
0x420: {  	v4 =	vperm.xlane v3, v0;
	_ =	sdelay $0x1  }
0x421: {  	v4 =	vadd.s32 v1, v4;
	_ =	sdelay $0x1  }
0x422: {  	v3 =	vperm.xlane v3, v2;
	_ =	sdelay $0x1  }
0x423: {  	s14 =	simm.s32 $0x2400;
	v3 =	vadd.s32 v1, v3  }
0x424: {  	[tilespmem:s14], [sflag:$0x1] =	stream.indirect_vreg.gather [hbm4b:s2+s3], $0x80, v4, vm0, $0xb8;
	[tilespmem:$0x18400] =	vst v63  }
0x425: {  	s15 =	simm.s32 $0x2C00  }
0x426: {  	[tilespmem:s15], [sflag:$0x1] =	stream.indirect_vreg.gather [hbm4b:s5+s3], $0x80, v4, vm0, $0xb8;
	[tilespmem:$0x18400] =	vst v63  }
0x427: {  	s16 =	simm.s32 $0x3400  }
0x428: {  	[tilespmem:s16], [sflag:$0x1] =	stream.indirect_vreg.gather [hbm4b:s2+s3], $0x80, v3, vm0, $0xb8;
	[tilespmem:$0x18400] =	vst v63  }
0x429: {  	s24 =	simm.s32 $0x3C00  }
0x42a: {  	[tilespmem:s24], [sflag:$0x1] =	stream.indirect_vreg.gather [hbm4b:s5+s3], $0x80, v3, vm0, $0xb8;
	[tilespmem:$0x18400] =	vst v63  }
0x42b: {  	v3 =	vld [tilespmem:$0x3E0];
	_ =	sdelay $0x4  }
0x42c: {  	v62 =	vshll.u32 v3, $0x2  }
0x42d: {  	v3 =	vand.u32 $0x7, v3;
	v4 =	vand.u32 $0xFFFFFFE0, v62  }
0x42e: {  	v3 =	vor.u32 v3, v4  }
0x42f: {  	v4 =	vperm.xlane v3, v0;
	_ =	sdelay $0x1  }
0x430: {  	v4 =	vadd.s32 v1, v4;
	_ =	sdelay $0x1  }
0x431: {  	v3 =	vperm.xlane v3, v2;
	_ =	sdelay $0x1  }
0x432: {  	s17 =	simm.s32 $0x4400;
	v3 =	vadd.s32 v1, v3  }
0x433: {  	[tilespmem:s17], [sflag:$0x1] =	stream.indirect_vreg.gather [hbm4b:s2+s3], $0x80, v4, vm0, $0xb8;
	[tilespmem:$0x18400] =	vst v63  }
0x434: {  	s18 =	simm.s32 $0x4C00  }
0x435: {  	[tilespmem:s18], [sflag:$0x1] =	stream.indirect_vreg.gather [hbm4b:s5+s3], $0x80, v4, vm0, $0xb8;
	[tilespmem:$0x18400] =	vst v63  }
0x436: {  	s19 =	simm.s32 $0x5400  }
0x437: {  	[tilespmem:s19], [sflag:$0x1] =	stream.indirect_vreg.gather [hbm4b:s2+s3], $0x80, v3, vm0, $0xb8;
	[tilespmem:$0x18400] =	vst v63  }
0x438: {  	s28 =	simm.s32 $0x5C00  }
0x439: {  	[tilespmem:s28], [sflag:$0x1] =	stream.indirect_vreg.gather [hbm4b:s5+s3], $0x80, v3, vm0, $0xb8;
	[tilespmem:$0x18400] =	vst v63  }
0x43a: {  	v3 =	vld [tilespmem:$0x3F0];
	_ =	sdelay $0x4  }
0x43b: {  	v63 =	vshll.u32 v3, $0x2  }
0x43c: {  	v3 =	vand.u32 $0x7, v3;
	v4 =	vand.u32 $0xFFFFFFE0, v63  }
0x43d: {  	v3 =	vor.u32 v3, v4  }
0x43e: {  	v4 =	vperm.xlane v3, v0;
	_ =	sdelay $0x1  }
0x43f: {  	v4 =	vadd.s32 v1, v4;
	_ =	sdelay $0x1  }
0x440: {  	v3 =	vperm.xlane v3, v2;
	_ =	sdelay $0x1  }
0x441: {  	s21 =	simm.s32 $0x6400;
	v3 =	vadd.s32 v1, v3  }
0x442: {  	[tilespmem:s21], [sflag:$0x1] =	stream.indirect_vreg.gather [hbm4b:s2+s3], $0x80, v4, vm0, $0xb8;
	[tilespmem:$0x18400] =	vst v63  }
0x443: {  	s9 =	simm.s32 $0x6C00  }
0x444: {  	[tilespmem:s9], [sflag:$0x1] =	stream.indirect_vreg.gather [hbm4b:s5+s3], $0x80, v4, vm0, $0xb8;
	[tilespmem:$0x18400] =	vst v63  }
0x445: {  	s20 =	simm.s32 $0x7400  }
0x446: {  	[tilespmem:s20], [sflag:$0x1] =	stream.indirect_vreg.gather [hbm4b:s2+s3], $0x80, v3, vm0, $0xb8;
	[tilespmem:$0x18400] =	vst v63  }
0x447: {  	s23 =	simm.s32 $0x7C00  }
0x448: {  	[tilespmem:s23], [sflag:$0x1] =	stream.indirect_vreg.gather [hbm4b:s5+s3], $0x80, v3, vm0, $0xb8;
	[tilespmem:$0x18400] =	vst v63  }
0x449: {  	s7 =	simm.s32 $0x8400;
	s22 =	rddreg [dreg:$0x11]  }
0x44a: {  	[hbm4b:s22+s3] =	stream.linear.scatter [tilespmem:s7], [sflag:$0x5], $0x8000, $0x38;
	[tilespmem:$0x18400] =	vst v63  }
0x44b: {  	_ =	swait.ge [sflag:s4], $0x8000  }
0x44c: {  	[sflag:s4] =	ssyncset.done $0x0  }
0x44d: {  	s6 =	simm.s32 $0x10400;
	s24 =	rddreg [dreg:$0x12];
	[sflag:s4] =	ssyncadd.s32 $0xFFFF8000  }
0x44e: {  	[hbm4b:s24+s3] =	stream.linear.scatter [tilespmem:s6], [sflag:$0x6], $0x8000, $0x38;
	[tilespmem:$0x18400] =	vst v63  }
0x44f: {  	_ =	swait.ge [sflag:s31], $0x8000  }
0x450: {  	[sflag:s31] =	ssyncset.done $0x0  }
0x451: {  	s28 =	rddreg [dreg:$0x13];
	[sflag:s31] =	ssyncadd.s32 $0xFFFF8000  }
0x452: {  	[hbm4b:s28+s3] =	stream.linear.scatter [tilespmem:s29], [sflag:$0x4], $0x8000, $0x38;
	[tilespmem:$0x18400] =	vst v63  }
0x453: {  	p0 =	sne.s32 s1, $0x1;
	_ =	swait.ge [sflag:s25], $0x8000  }
.Ltmp0:
0x454: {  	[sflag:s25] =	ssyncset.done $0x0;
	(pc) =	sbr.rel @p0 .LBB2_1-.Ltmp0, $4  }
0x455: {  	[sflag:s25] =	ssyncadd.s32 $0xFFFF8000  }
0x456: {  	_ =	swait.ge [sflag:s0], $0x8000  }
0x457: {  	[sflag:s0] =	ssyncset.done $0x0  }
0x458: {  	s1 =	sadd.s32 $0xFFFFFFFF, s1;
	[sflag:s0] =	ssyncadd.s32 $0xFFFF8000  }
0x459: {  	_ =	sfence.sel $0x180000  }
0x45a: {  	[bflag:$0x0] =	sbarrier.arrive $0xFFFF  }
0x45b: {  	_ =	strace $0x90000047  }
0x45c: {  	s0 =	stileid.u32;
	[bflag:$0x2] =	sbarrier.arrive $0xFFFF  }
0x45d: {  	p0 =	sne.s32 s0, $0x0;
	s0 =	rddreg [dreg:$0x3]  }
0x45e: {  	s0 =	sadd.s32 @!p0 $0x100000, s0  }
0x45f: {  	[sflag:s0] =	ssyncadd.tile.s32 @!p0 $0x1;
	_ =	shalt  }
.Lfunc_end2:
_tile_overlayer_lowered:
.L_overlay_start_2:
0x460: {  	(tag) =	ssettag $0x2  }
0x461: {  	s0 =	rddreg [dreg:$0x0];
	s2 =	stileid.u32  }
0x462: {  	s1 =	rddreg [dreg:$0x1];
	p0 =	sne.s32 s2, $0x0  }
0x463: {  	s3 =	rddreg [dreg:$0x2];
	[bflag:$0x3] =	sbarrier.arrive $0xFFFF;
	s2 =	simm.s32 @!p0 $0x1C07  }
0x464: {  	[timem:s3], [sflag:s2] =	dma.local @!p0 [hbm:s0], s1  }
0x465: {  	s0 =	simm.s32 @!p0 $0x7  }
0x466: {  	_ =	swait.ge @!p0 [sflag:s0], s1  }
0x467: {  	s1 =	ssub.s32 @!p0 $0x0, s1;
	[sflag:s0] =	ssyncset.done @!p0 $0x0  }
0x468: {  	[sflag:s0] =	ssyncadd.s32 @!p0 s1  }
0x469: {  	[bflag:$0x3] =	sbarrier.arrive $0xFFFF  }
0x46a: {  	_ =	shalt  }

</sc_bundles>
